<compile_context>
chip_gen: v7x
topology: tpu7x:2x2x1
jax: 0.10.2.dev20260603
libtpu: 0.0.44.dev20260713+nightly
codegen_flags: <defaults>
</compile_context>

<pallas_src>
import functools

import numpy as np
import jax
import jax.numpy as jnp
from jax import lax
from jax.experimental import pallas as pl
from jax.experimental.pallas import tpu as pltpu
from jax.experimental.pallas import tpu_sc as plsc

_B = 16384
_ND = 13
_NT = 26
_V = 100000
_D = 32
_N1 = _NT + 1

_NC = 2
_NS = 16
_NW = _NC * _NS
_ROWS = _B * _NT
_RPW = _ROWS // _NW
_CHUNK = 1664
_NCHUNK = _RPW // _CHUNK
def _sc_gather(table, flat_idx):
    mesh = plsc.VectorSubcoreMesh(core_axis_name="c", subcore_axis_name="s")

    @functools.partial(
        pl.kernel,
        out_type=jax.ShapeDtypeStruct((_ROWS, _D), jnp.float32),
        mesh=mesh,
        scratch_types=[
            pltpu.VMEM((_CHUNK,), jnp.int32),
            pltpu.VMEM((_CHUNK, _D), jnp.float32),
            pltpu.SemaphoreType.DMA,
        ],
        compiler_params=pltpu.CompilerParams(use_tc_tiling_on_sc=False),
    )
    def k(table_hbm, idx_hbm, out_hbm, idx_v, rows_v, sem):
        wid = lax.axis_index("s") * _NC + lax.axis_index("c")
        base = wid * _RPW
        for i in range(_NCHUNK):
            off = base + i * _CHUNK
            pltpu.sync_copy(idx_hbm.at[pl.ds(off, _CHUNK)], idx_v)
            pltpu.async_copy(table_hbm.at[idx_v], rows_v, sem).wait()
            pltpu.sync_copy(rows_v, out_hbm.at[pl.ds(off, _CHUNK)])

    return k(table, flat_idx)


_Q = _V // 4


def _table_shuffle(embT2):
    def _in_copy(x_hbm, xv, sems, t, slot):
        return pltpu.make_async_copy(
            x_hbm.at[pl.ds(t * _D, _D), :], xv.at[slot], sems.at[slot])

    def _out_copy(o_hbm, ov, sems, t):
        return pltpu.make_async_copy(
            ov, o_hbm.at[pl.ds(t * _Q, _Q), :], sems.at[2])

    def body(x_hbm, o_hbm, xv, ov, sems):
        t = pl.program_id(0)
        slot = lax.rem(t, 2)

        @pl.when(t == 0)
        def _prologue():
            _in_copy(x_hbm, xv, sems, 0, 0).start()

        @pl.when(t < _NT - 1)
        def _prefetch():
            _in_copy(x_hbm, xv, sems, t + 1, 1 - slot).start()

        _in_copy(x_hbm, xv, sems, t, slot).wait()

        @pl.when(t >= 1)
        def _drain_prev():
            _out_copy(o_hbm, ov, sems, t - 1).wait()

        for j in range(4):
            xth = jnp.transpose(xv[slot, :, j * _Q:(j + 1) * _Q])
            ov[:, j * _D:(j + 1) * _D] = xth
        _out_copy(o_hbm, ov, sems, t).start()

        @pl.when(t >= _NT - 1)
        def _epilogue():
            _out_copy(o_hbm, ov, sems, t).wait()

    return pl.pallas_call(
        body,
        grid=(_NT,),
        in_specs=[pl.BlockSpec(memory_space=pl.ANY)],
        out_specs=pl.BlockSpec(memory_space=pl.ANY),
        out_shape=jax.ShapeDtypeStruct((_NT * _Q, 4 * _D), jnp.float32),
        scratch_shapes=[
            pltpu.VMEM((2, _D, _V), jnp.float32),
            pltpu.VMEM((_Q, 4 * _D), jnp.float32),
            pltpu.SemaphoreType.DMA((3,)),
        ],
        compiler_params=pltpu.CompilerParams(
            dimension_semantics=("arbitrary",),
            vmem_limit_bytes=60 * 1024 * 1024,
            fuse_transposed_lhs_in_matmul=True,
        ),
    )(embT2)


_BB = 2048


def _tc_body(numT, ly, bw0, bb0, bw1, bb1, bw2, bb2,
             tw0p, tb0, tw1, tb1, tw2, tb2, tw3, tb3, tw4, tb4, out):
    f32 = jnp.float32

    def mm(w, x):
        return jnp.dot(w, x, preferred_element_type=f32)

    x = numT[...]
    x = jnp.maximum(mm(bw0[...], x) + bb0[...], 0.0)
    x = jnp.maximum(mm(bw1[...], x) + bb1[...], 0.0)
    bot = jnp.maximum(mm(bw2[...], x) + bb2[...], 0.0)

    lyT = jnp.transpose(ly[...])
    ly3 = lyT.reshape(_NT, _D, _BB)

    pieces = [bot, jnp.sum(ly3 * bot[None, :, :], axis=1)]
    for o in range(1, _NT):
        kk = _NT - o
        v = ly3[o:, :, :] * ly3[:kk, :, :]
        pieces.append(jnp.sum(v, axis=1))
    t = jnp.concatenate(pieces, axis=0)

    t = jnp.maximum(mm(tw0p[...], t) + tb0[...], 0.0)
    t = jnp.maximum(mm(tw1[...], t) + tb1[...], 0.0)
    t = jnp.maximum(mm(tw2[...], t) + tb2[...], 0.0)
    t = jnp.maximum(mm(tw3[...], t) + tb3[...], 0.0)
    out[...] = jax.nn.sigmoid(mm(tw4[...], t) + tb4[...])


def _tc_forward(numT, ly2d, bw0, bb0, bw1, bb1, bw2, bb2,
                tw0p, tb0, tw1, tb1, tw2, tb2, tw3, tb3, tw4, tb4):
    nblk = _B // _BB

    def full(a):
        return pl.BlockSpec(a.shape, lambda i: (0,) * a.ndim)

    in_specs = [
        pl.BlockSpec((_ND, _BB), lambda i: (0, i)),
        pl.BlockSpec((_BB, _NT * _D), lambda i: (i, 0)),
    ] + [full(a) for a in (bw0, bb0, bw1, bb1, bw2, bb2,
                           tw0p, tb0, tw1, tb1, tw2, tb2, tw3, tb3, tw4, tb4)]

    return pl.pallas_call(
        _tc_body,
        grid=(nblk,),
        in_specs=in_specs,
        out_specs=pl.BlockSpec((1, _BB), lambda i: (0, i)),
        out_shape=jax.ShapeDtypeStruct((1, _B), jnp.float32),
        compiler_params=pltpu.CompilerParams(
            dimension_semantics=("arbitrary",),
        ),
    )(numT, ly2d, bw0, bb0, bw1, bb1, bw2, bb2,
      tw0p, tb0, tw1, tb1, tw2, tb2, tw3, tb3, tw4, tb4)


def _offset_perm():
    r_idx, c_idx = np.tril_indices(_N1, -1)
    pos = {(int(r), int(c)): j for j, (r, c) in enumerate(zip(r_idx, c_idx))}
    order = [pos[(o, 0)] for o in range(1, _N1)]
    order += [pos[(j + o + 1, j + 1)]
              for o in range(1, _NT) for j in range(_NT - o)]
    return np.array(order, dtype=np.int32)


def kernel(numerical_input, categorical_inputs, emb,
           bw0, bb0, bw1, bb1, bw2, bb2,
           tw0, tb0, tw1, tb1, tw2, tb2, tw3, tb3, tw4, tb4):
    embT2 = emb.transpose(0, 2, 1).reshape(_NT * _D, _V)
    cat = categorical_inputs
    shuf = 4 * (cat % _Q) + cat // _Q
    flat_idx = (shuf
                + (jnp.arange(_NT, dtype=jnp.int32) * _V)[None, :]).reshape(-1)
    numT = numerical_input.T
    perm = _offset_perm()
    tw0p = jnp.concatenate([tw0[:, :_D], tw0[:, _D + perm]], axis=1)

    def col(b):
        return b.reshape(-1, 1)

    table = _table_shuffle(embT2).reshape(_NT * _V, _D)

    ly = _sc_gather(table, flat_idx)
    ly2d = ly.reshape(_B, _NT * _D)

    outT = _tc_forward(numT, ly2d, bw0, col(bb0), bw1, col(bb1), bw2, col(bb2),
                       tw0p, col(tb0), tw1, col(tb1), tw2, col(tb2),
                       tw3, col(tb3), tw4, col(tb4))
    return outT.T

# --- scband reference (transcript-rebuilt; emitter-appended) ---
"""Pipeline reference for scband-dlrm-base-6116033429827 (READ-ONLY COPY).

The authoritative reference and input builder live on the scoring server;
editing this copy changes nothing except your own understanding.
"""

import jax, jax.numpy as jnp
import numpy as np

B = 16384
ND = 13
NT = 26
V = 100000
D = 32


def setup_inputs(seed: int = 0) -> dict:
    key = jax.random.key(seed)
    ks = iter(jax.random.split(key, 40))

    def nrm(shape, std):
        return jax.random.normal(next(ks), shape, dtype=jnp.float32) * std

    inp = {}
    inp["numerical_input"] = jax.random.normal(next(ks), (B, ND), dtype=jnp.float32)
    inp["categorical_inputs"] = jax.random.randint(next(ks), (B, NT), 0, V, dtype=jnp.int32)
    # 26 embedding tables of equal vocab, stacked into one tensor [NT, V, D]
    inp["emb"] = nrm((NT, V, D), 0.01)
    bottom = [ND, 512, 256, 32]
    for i in range(3):
        fi, fo = bottom[i], bottom[i + 1]
        inp[f"bw{i}"] = nrm((fo, fi), float(np.sqrt(2.0 / (fi + fo))))
        inp[f"bb{i}"] = nrm((fo,), float(np.sqrt(1.0 / fo)))
    # num_interactions = 27*26//2 + 32 = 383; top mlp input = 384 (with zero pad)
    top = [384, 1024, 1024, 512, 256, 1]
    for i in range(5):
        fi, fo = top[i], top[i + 1]
        inp[f"tw{i}"] = nrm((fo, fi), float(np.sqrt(2.0 / (fi + fo))))
        inp[f"tb{i}"] = nrm((fo,), float(np.sqrt(1.0 / fo)))
    return inp


def reference(numerical_input, categorical_inputs, emb,
              bw0, bb0, bw1, bb1, bw2, bb2,
              tw0, tb0, tw1, tb1, tw2, tb2, tw3, tb3, tw4, tb4):
    # bottom MLP
    x = numerical_input
    for w, b in ((bw0, bb0), (bw1, bb1), (bw2, bb2)):
        x = jax.nn.relu(x @ w.T + b)
    bottom_mlp_output = x  # [B, D]
    # embedding lookups: table i gathered with categorical_inputs[:, i]
    ly = emb[jnp.arange(NT)[None, :], categorical_inputs]  # [B, NT, D]
    # dot interaction
    concat = jnp.concatenate([bottom_mlp_output[:, None, :], ly], axis=1)  # [B, NT+1, D]
    interaction = jnp.einsum('bnd,bmd->bnm', concat, concat)  # [B, NT+1, NT+1]
    r, c = np.tril_indices(NT + 1, -1)
    interaction_flat = interaction[:, r, c]  # [B, 351]
    zero_padding = jnp.zeros((concat.shape[0], 1), dtype=concat.dtype)
    t = jnp.concatenate([bottom_mlp_output, interaction_flat, zero_padding], axis=1)  # [B, 384]
    # top MLP
    for w, b in ((tw0, tb0), (tw1, tb1), (tw2, tb2), (tw3, tb3)):
        t = jax.nn.relu(t @ w.T + b)
    t = jax.nn.sigmoid(t @ tw4.T + tb4)
    return t

if __name__ == "__main__":
    import jax
    _d = setup_inputs()
    print(jax.jit(kernel)(*tuple(_d.values())))

</pallas_src>

<mosaic_0001>
#map = affine_map<(d0, d1) -> (0, 0)>
#map1 = affine_map<(d0, d1) -> (0)>
module attributes {stable_mosaic.version = 14 : i64} {
  func.func @k(%arg0: i32, %arg1: i32, %arg2: memref<2600000x32xf32, #tpu.memory_space<hbm>>, %arg3: memref<425984xi32, #tpu.memory_space<hbm>>, %arg4: memref<425984x32xf32, #tpu.memory_space<hbm>>, %arg5: memref<1664xi32, #tpu.memory_space<vmem>>, %arg6: memref<1664x32xf32, #tpu.memory_space<vmem>>, %arg7: memref<!tpu.dma_semaphore, #tpu.memory_space<semaphore_mem>>) attributes {dimension_semantics = [#tpu.dimension_semantics<core_parallel>, #tpu.dimension_semantics<subcore_parallel>], iteration_bounds = array<i64: 2, 16>, scalar_prefetch = 0 : i64, scratch_operands = 3 : i64, tpu.core_type = #tpu.core_type<sc_vector_subcore>, window_params = [{transform_indices = #map}, {transform_indices = #map1}, {transform_indices = #map}]} {
    %mul3A = arith.constant 2 : i32
    %mul3A_0 = arith.muli %arg1, %mul3A : i32
    %add3A = arith.addi %mul3A_0, %arg0 : i32
    %mul3A_1 = arith.constant 13312 : i32
    %mul3A_2 = arith.muli %add3A, %mul3A_1 : i32
    %add3A_3 = arith.constant 0 : i32
    %add3A_4 = arith.addi %mul3A_2, %add3A_3 : i32
    "tpu.region"() ({
      %run_scoped3A = tpu.sem_alloc : memref<!tpu.dma_semaphore, #tpu.memory_space<semaphore_mem>>
      %dma_start3A_65 = tpu.memref_slice %arg3[%add3A_4] : memref<425984xi32, #tpu.memory_space<hbm>> -> memref<1664xi32, #tpu.memory_space<hbm>>
      %dma_start3A_66 = tpu.memref_slice %arg3[%add3A_4] : memref<425984xi32, #tpu.memory_space<hbm>> -> memref<1664xi32, #tpu.memory_space<hbm>>
      tpu.enqueue_dma source(%dma_start3A_66 : memref<1664xi32, #tpu.memory_space<hbm>>) target(%arg5 : memref<1664xi32, #tpu.memory_space<vmem>>) target_semaphore(%run_scoped3A : memref<!tpu.dma_semaphore, #tpu.memory_space<semaphore_mem>>)
      %dma_wait3A_67 = tpu.memref_slice %arg3[%add3A_4] : memref<425984xi32, #tpu.memory_space<hbm>> -> memref<1664xi32, #tpu.memory_space<hbm>>
      %dma_wait3A_68 = tpu.memref_slice %arg3[%add3A_4] : memref<425984xi32, #tpu.memory_space<hbm>> -> memref<1664xi32, #tpu.memory_space<hbm>>
      tpu.wait_dma2 semaphore(%run_scoped3A : memref<!tpu.dma_semaphore, #tpu.memory_space<semaphore_mem>>) src(%dma_wait3A_68 : memref<1664xi32, #tpu.memory_space<hbm>>) dst(%arg5 : memref<1664xi32, #tpu.memory_space<vmem>>)
      tpu.yield
    }) : () -> ()
    %dma_start3A = arith.constant 0 : i32
    %dma_start3A_5 = arith.constant 0 : i32
    %dma_start3A_6 = tpu.memref_slice %arg2[%dma_start3A, %dma_start3A_5] : memref<2600000x32xf32, #tpu.memory_space<hbm>> -> memref<2600000x32xf32, #tpu.memory_space<hbm>>
    tpu.enqueue_indirect_dma source(%dma_start3A_6 : memref<2600000x32xf32, #tpu.memory_space<hbm>>) target(%arg6 : memref<1664x32xf32, #tpu.memory_space<vmem>>) offsets(%arg5 : memref<1664xi32, #tpu.memory_space<vmem>>) semaphore(%arg7 : memref<!tpu.dma_semaphore, #tpu.memory_space<semaphore_mem>>)
    %dma_wait3A = arith.constant 0 : i32
    %dma_wait3A_7 = arith.constant 0 : i32
    %dma_wait3A_8 = tpu.memref_slice %arg2[%dma_wait3A, %dma_wait3A_7] : memref<2600000x32xf32, #tpu.memory_space<hbm>> -> memref<2600000x32xf32, #tpu.memory_space<hbm>>
    tpu.wait_indirect_dma semaphore(%arg7 : memref<!tpu.dma_semaphore, #tpu.memory_space<semaphore_mem>>) src(%dma_wait3A_8 : memref<2600000x32xf32, #tpu.memory_space<hbm>>) dst(%arg6 : memref<1664x32xf32, #tpu.memory_space<vmem>>)
    "tpu.region"() ({
      %run_scoped3A = tpu.sem_alloc : memref<!tpu.dma_semaphore, #tpu.memory_space<semaphore_mem>>
      %dma_start3A_65 = arith.constant 0 : i32
      %dma_start3A_66 = tpu.memref_slice %arg4[%add3A_4, %dma_start3A_65] : memref<425984x32xf32, #tpu.memory_space<hbm>> -> memref<1664x32xf32, #tpu.memory_space<hbm>>
      %dma_start3A_67 = arith.constant 0 : i32
      %dma_start3A_68 = tpu.memref_slice %arg4[%add3A_4, %dma_start3A_67] : memref<425984x32xf32, #tpu.memory_space<hbm>> -> memref<1664x32xf32, #tpu.memory_space<hbm>>
      tpu.enqueue_dma source(%arg6 : memref<1664x32xf32, #tpu.memory_space<vmem>>) target(%dma_start3A_68 : memref<1664x32xf32, #tpu.memory_space<hbm>>) target_semaphore(%run_scoped3A : memref<!tpu.dma_semaphore, #tpu.memory_space<semaphore_mem>>)
      %dma_wait3A_69 = arith.constant 0 : i32
      %dma_wait3A_70 = tpu.memref_slice %arg4[%add3A_4, %dma_wait3A_69] : memref<425984x32xf32, #tpu.memory_space<hbm>> -> memref<1664x32xf32, #tpu.memory_space<hbm>>
      %dma_wait3A_71 = arith.constant 0 : i32
      %dma_wait3A_72 = tpu.memref_slice %arg4[%add3A_4, %dma_wait3A_71] : memref<425984x32xf32, #tpu.memory_space<hbm>> -> memref<1664x32xf32, #tpu.memory_space<hbm>>
      tpu.wait_dma2 semaphore(%run_scoped3A : memref<!tpu.dma_semaphore, #tpu.memory_space<semaphore_mem>>) src(%arg6 : memref<1664x32xf32, #tpu.memory_space<vmem>>) dst(%dma_wait3A_72 : memref<1664x32xf32, #tpu.memory_space<hbm>>)
      tpu.yield
    }) : () -> ()
    %add3A_9 = arith.constant 1664 : i32
    %add3A_10 = arith.addi %mul3A_2, %add3A_9 : i32
    "tpu.region"() ({
      %run_scoped3A = tpu.sem_alloc : memref<!tpu.dma_semaphore, #tpu.memory_space<semaphore_mem>>
      %dma_start3A_65 = tpu.memref_slice %arg3[%add3A_10] : memref<425984xi32, #tpu.memory_space<hbm>> -> memref<1664xi32, #tpu.memory_space<hbm>>
      %dma_start3A_66 = tpu.memref_slice %arg3[%add3A_10] : memref<425984xi32, #tpu.memory_space<hbm>> -> memref<1664xi32, #tpu.memory_space<hbm>>
      tpu.enqueue_dma source(%dma_start3A_66 : memref<1664xi32, #tpu.memory_space<hbm>>) target(%arg5 : memref<1664xi32, #tpu.memory_space<vmem>>) target_semaphore(%run_scoped3A : memref<!tpu.dma_semaphore, #tpu.memory_space<semaphore_mem>>)
      %dma_wait3A_67 = tpu.memref_slice %arg3[%add3A_10] : memref<425984xi32, #tpu.memory_space<hbm>> -> memref<1664xi32, #tpu.memory_space<hbm>>
      %dma_wait3A_68 = tpu.memref_slice %arg3[%add3A_10] : memref<425984xi32, #tpu.memory_space<hbm>> -> memref<1664xi32, #tpu.memory_space<hbm>>
      tpu.wait_dma2 semaphore(%run_scoped3A : memref<!tpu.dma_semaphore, #tpu.memory_space<semaphore_mem>>) src(%dma_wait3A_68 : memref<1664xi32, #tpu.memory_space<hbm>>) dst(%arg5 : memref<1664xi32, #tpu.memory_space<vmem>>)
      tpu.yield
    }) : () -> ()
    %dma_start3A_11 = arith.constant 0 : i32
    %dma_start3A_12 = arith.constant 0 : i32
    %dma_start3A_13 = tpu.memref_slice %arg2[%dma_start3A_11, %dma_start3A_12] : memref<2600000x32xf32, #tpu.memory_space<hbm>> -> memref<2600000x32xf32, #tpu.memory_space<hbm>>
    tpu.enqueue_indirect_dma source(%dma_start3A_13 : memref<2600000x32xf32, #tpu.memory_space<hbm>>) target(%arg6 : memref<1664x32xf32, #tpu.memory_space<vmem>>) offsets(%arg5 : memref<1664xi32, #tpu.memory_space<vmem>>) semaphore(%arg7 : memref<!tpu.dma_semaphore, #tpu.memory_space<semaphore_mem>>)
    %dma_wait3A_14 = arith.constant 0 : i32
    %dma_wait3A_15 = arith.constant 0 : i32
    %dma_wait3A_16 = tpu.memref_slice %arg2[%dma_wait3A_14, %dma_wait3A_15] : memref<2600000x32xf32, #tpu.memory_space<hbm>> -> memref<2600000x32xf32, #tpu.memory_space<hbm>>
    tpu.wait_indirect_dma semaphore(%arg7 : memref<!tpu.dma_semaphore, #tpu.memory_space<semaphore_mem>>) src(%dma_wait3A_16 : memref<2600000x32xf32, #tpu.memory_space<hbm>>) dst(%arg6 : memref<1664x32xf32, #tpu.memory_space<vmem>>)
    "tpu.region"() ({
      %run_scoped3A = tpu.sem_alloc : memref<!tpu.dma_semaphore, #tpu.memory_space<semaphore_mem>>
      %dma_start3A_65 = arith.constant 0 : i32
      %dma_start3A_66 = tpu.memref_slice %arg4[%add3A_10, %dma_start3A_65] : memref<425984x32xf32, #tpu.memory_space<hbm>> -> memref<1664x32xf32, #tpu.memory_space<hbm>>
      %dma_start3A_67 = arith.constant 0 : i32
      %dma_start3A_68 = tpu.memref_slice %arg4[%add3A_10, %dma_start3A_67] : memref<425984x32xf32, #tpu.memory_space<hbm>> -> memref<1664x32xf32, #tpu.memory_space<hbm>>
      tpu.enqueue_dma source(%arg6 : memref<1664x32xf32, #tpu.memory_space<vmem>>) target(%dma_start3A_68 : memref<1664x32xf32, #tpu.memory_space<hbm>>) target_semaphore(%run_scoped3A : memref<!tpu.dma_semaphore, #tpu.memory_space<semaphore_mem>>)
      %dma_wait3A_69 = arith.constant 0 : i32
      %dma_wait3A_70 = tpu.memref_slice %arg4[%add3A_10, %dma_wait3A_69] : memref<425984x32xf32, #tpu.memory_space<hbm>> -> memref<1664x32xf32, #tpu.memory_space<hbm>>
      %dma_wait3A_71 = arith.constant 0 : i32
      %dma_wait3A_72 = tpu.memref_slice %arg4[%add3A_10, %dma_wait3A_71] : memref<425984x32xf32, #tpu.memory_space<hbm>> -> memref<1664x32xf32, #tpu.memory_space<hbm>>
      tpu.wait_dma2 semaphore(%run_scoped3A : memref<!tpu.dma_semaphore, #tpu.memory_space<semaphore_mem>>) src(%arg6 : memref<1664x32xf32, #tpu.memory_space<vmem>>) dst(%dma_wait3A_72 : memref<1664x32xf32, #tpu.memory_space<hbm>>)
      tpu.yield
    }) : () -> ()
    %add3A_17 = arith.constant 3328 : i32
    %add3A_18 = arith.addi %mul3A_2, %add3A_17 : i32
    "tpu.region"() ({
      %run_scoped3A = tpu.sem_alloc : memref<!tpu.dma_semaphore, #tpu.memory_space<semaphore_mem>>
      %dma_start3A_65 = tpu.memref_slice %arg3[%add3A_18] : memref<425984xi32, #tpu.memory_space<hbm>> -> memref<1664xi32, #tpu.memory_space<hbm>>
      %dma_start3A_66 = tpu.memref_slice %arg3[%add3A_18] : memref<425984xi32, #tpu.memory_space<hbm>> -> memref<1664xi32, #tpu.memory_space<hbm>>
      tpu.enqueue_dma source(%dma_start3A_66 : memref<1664xi32, #tpu.memory_space<hbm>>) target(%arg5 : memref<1664xi32, #tpu.memory_space<vmem>>) target_semaphore(%run_scoped3A : memref<!tpu.dma_semaphore, #tpu.memory_space<semaphore_mem>>)
      %dma_wait3A_67 = tpu.memref_slice %arg3[%add3A_18] : memref<425984xi32, #tpu.memory_space<hbm>> -> memref<1664xi32, #tpu.memory_space<hbm>>
      %dma_wait3A_68 = tpu.memref_slice %arg3[%add3A_18] : memref<425984xi32, #tpu.memory_space<hbm>> -> memref<1664xi32, #tpu.memory_space<hbm>>
      tpu.wait_dma2 semaphore(%run_scoped3A : memref<!tpu.dma_semaphore, #tpu.memory_space<semaphore_mem>>) src(%dma_wait3A_68 : memref<1664xi32, #tpu.memory_space<hbm>>) dst(%arg5 : memref<1664xi32, #tpu.memory_space<vmem>>)
      tpu.yield
    }) : () -> ()
    %dma_start3A_19 = arith.constant 0 : i32
    %dma_start3A_20 = arith.constant 0 : i32
    %dma_start3A_21 = tpu.memref_slice %arg2[%dma_start3A_19, %dma_start3A_20] : memref<2600000x32xf32, #tpu.memory_space<hbm>> -> memref<2600000x32xf32, #tpu.memory_space<hbm>>
    tpu.enqueue_indirect_dma source(%dma_start3A_21 : memref<2600000x32xf32, #tpu.memory_space<hbm>>) target(%arg6 : memref<1664x32xf32, #tpu.memory_space<vmem>>) offsets(%arg5 : memref<1664xi32, #tpu.memory_space<vmem>>) semaphore(%arg7 : memref<!tpu.dma_semaphore, #tpu.memory_space<semaphore_mem>>)
    %dma_wait3A_22 = arith.constant 0 : i32
    %dma_wait3A_23 = arith.constant 0 : i32
    %dma_wait3A_24 = tpu.memref_slice %arg2[%dma_wait3A_22, %dma_wait3A_23] : memref<2600000x32xf32, #tpu.memory_space<hbm>> -> memref<2600000x32xf32, #tpu.memory_space<hbm>>
    tpu.wait_indirect_dma semaphore(%arg7 : memref<!tpu.dma_semaphore, #tpu.memory_space<semaphore_mem>>) src(%dma_wait3A_24 : memref<2600000x32xf32, #tpu.memory_space<hbm>>) dst(%arg6 : memref<1664x32xf32, #tpu.memory_space<vmem>>)
    "tpu.region"() ({
      %run_scoped3A = tpu.sem_alloc : memref<!tpu.dma_semaphore, #tpu.memory_space<semaphore_mem>>
      %dma_start3A_65 = arith.constant 0 : i32
      %dma_start3A_66 = tpu.memref_slice %arg4[%add3A_18, %dma_start3A_65] : memref<425984x32xf32, #tpu.memory_space<hbm>> -> memref<1664x32xf32, #tpu.memory_space<hbm>>
      %dma_start3A_67 = arith.constant 0 : i32
      %dma_start3A_68 = tpu.memref_slice %arg4[%add3A_18, %dma_start3A_67] : memref<425984x32xf32, #tpu.memory_space<hbm>> -> memref<1664x32xf32, #tpu.memory_space<hbm>>
      tpu.enqueue_dma source(%arg6 : memref<1664x32xf32, #tpu.memory_space<vmem>>) target(%dma_start3A_68 : memref<1664x32xf32, #tpu.memory_space<hbm>>) target_semaphore(%run_scoped3A : memref<!tpu.dma_semaphore, #tpu.memory_space<semaphore_mem>>)
      %dma_wait3A_69 = arith.constant 0 : i32
      %dma_wait3A_70 = tpu.memref_slice %arg4[%add3A_18, %dma_wait3A_69] : memref<425984x32xf32, #tpu.memory_space<hbm>> -> memref<1664x32xf32, #tpu.memory_space<hbm>>
      %dma_wait3A_71 = arith.constant 0 : i32
      %dma_wait3A_72 = tpu.memref_slice %arg4[%add3A_18, %dma_wait3A_71] : memref<425984x32xf32, #tpu.memory_space<hbm>> -> memref<1664x32xf32, #tpu.memory_space<hbm>>
      tpu.wait_dma2 semaphore(%run_scoped3A : memref<!tpu.dma_semaphore, #tpu.memory_space<semaphore_mem>>) src(%arg6 : memref<1664x32xf32, #tpu.memory_space<vmem>>) dst(%dma_wait3A_72 : memref<1664x32xf32, #tpu.memory_space<hbm>>)
      tpu.yield
    }) : () -> ()
    %add3A_25 = arith.constant 4992 : i32
    %add3A_26 = arith.addi %mul3A_2, %add3A_25 : i32
    "tpu.region"() ({
      %run_scoped3A = tpu.sem_alloc : memref<!tpu.dma_semaphore, #tpu.memory_space<semaphore_mem>>
      %dma_start3A_65 = tpu.memref_slice %arg3[%add3A_26] : memref<425984xi32, #tpu.memory_space<hbm>> -> memref<1664xi32, #tpu.memory_space<hbm>>
      %dma_start3A_66 = tpu.memref_slice %arg3[%add3A_26] : memref<425984xi32, #tpu.memory_space<hbm>> -> memref<1664xi32, #tpu.memory_space<hbm>>
      tpu.enqueue_dma source(%dma_start3A_66 : memref<1664xi32, #tpu.memory_space<hbm>>) target(%arg5 : memref<1664xi32, #tpu.memory_space<vmem>>) target_semaphore(%run_scoped3A : memref<!tpu.dma_semaphore, #tpu.memory_space<semaphore_mem>>)
      %dma_wait3A_67 = tpu.memref_slice %arg3[%add3A_26] : memref<425984xi32, #tpu.memory_space<hbm>> -> memref<1664xi32, #tpu.memory_space<hbm>>
      %dma_wait3A_68 = tpu.memref_slice %arg3[%add3A_26] : memref<425984xi32, #tpu.memory_space<hbm>> -> memref<1664xi32, #tpu.memory_space<hbm>>
      tpu.wait_dma2 semaphore(%run_scoped3A : memref<!tpu.dma_semaphore, #tpu.memory_space<semaphore_mem>>) src(%dma_wait3A_68 : memref<1664xi32, #tpu.memory_space<hbm>>) dst(%arg5 : memref<1664xi32, #tpu.memory_space<vmem>>)
      tpu.yield
    }) : () -> ()
    %dma_start3A_27 = arith.constant 0 : i32
    %dma_start3A_28 = arith.constant 0 : i32
    %dma_start3A_29 = tpu.memref_slice %arg2[%dma_start3A_27, %dma_start3A_28] : memref<2600000x32xf32, #tpu.memory_space<hbm>> -> memref<2600000x32xf32, #tpu.memory_space<hbm>>
    tpu.enqueue_indirect_dma source(%dma_start3A_29 : memref<2600000x32xf32, #tpu.memory_space<hbm>>) target(%arg6 : memref<1664x32xf32, #tpu.memory_space<vmem>>) offsets(%arg5 : memref<1664xi32, #tpu.memory_space<vmem>>) semaphore(%arg7 : memref<!tpu.dma_semaphore, #tpu.memory_space<semaphore_mem>>)
    %dma_wait3A_30 = arith.constant 0 : i32
    %dma_wait3A_31 = arith.constant 0 : i32
    %dma_wait3A_32 = tpu.memref_slice %arg2[%dma_wait3A_30, %dma_wait3A_31] : memref<2600000x32xf32, #tpu.memory_space<hbm>> -> memref<2600000x32xf32, #tpu.memory_space<hbm>>
    tpu.wait_indirect_dma semaphore(%arg7 : memref<!tpu.dma_semaphore, #tpu.memory_space<semaphore_mem>>) src(%dma_wait3A_32 : memref<2600000x32xf32, #tpu.memory_space<hbm>>) dst(%arg6 : memref<1664x32xf32, #tpu.memory_space<vmem>>)
    "tpu.region"() ({
      %run_scoped3A = tpu.sem_alloc : memref<!tpu.dma_semaphore, #tpu.memory_space<semaphore_mem>>
      %dma_start3A_65 = arith.constant 0 : i32
      %dma_start3A_66 = tpu.memref_slice %arg4[%add3A_26, %dma_start3A_65] : memref<425984x32xf32, #tpu.memory_space<hbm>> -> memref<1664x32xf32, #tpu.memory_space<hbm>>
      %dma_start3A_67 = arith.constant 0 : i32
      %dma_start3A_68 = tpu.memref_slice %arg4[%add3A_26, %dma_start3A_67] : memref<425984x32xf32, #tpu.memory_space<hbm>> -> memref<1664x32xf32, #tpu.memory_space<hbm>>
      tpu.enqueue_dma source(%arg6 : memref<1664x32xf32, #tpu.memory_space<vmem>>) target(%dma_start3A_68 : memref<1664x32xf32, #tpu.memory_space<hbm>>) target_semaphore(%run_scoped3A : memref<!tpu.dma_semaphore, #tpu.memory_space<semaphore_mem>>)
      %dma_wait3A_69 = arith.constant 0 : i32
      %dma_wait3A_70 = tpu.memref_slice %arg4[%add3A_26, %dma_wait3A_69] : memref<425984x32xf32, #tpu.memory_space<hbm>> -> memref<1664x32xf32, #tpu.memory_space<hbm>>
      %dma_wait3A_71 = arith.constant 0 : i32
      %dma_wait3A_72 = tpu.memref_slice %arg4[%add3A_26, %dma_wait3A_71] : memref<425984x32xf32, #tpu.memory_space<hbm>> -> memref<1664x32xf32, #tpu.memory_space<hbm>>
      tpu.wait_dma2 semaphore(%run_scoped3A : memref<!tpu.dma_semaphore, #tpu.memory_space<semaphore_mem>>) src(%arg6 : memref<1664x32xf32, #tpu.memory_space<vmem>>) dst(%dma_wait3A_72 : memref<1664x32xf32, #tpu.memory_space<hbm>>)
      tpu.yield
    }) : () -> ()
    %add3A_33 = arith.constant 6656 : i32
    %add3A_34 = arith.addi %mul3A_2, %add3A_33 : i32
    "tpu.region"() ({
      %run_scoped3A = tpu.sem_alloc : memref<!tpu.dma_semaphore, #tpu.memory_space<semaphore_mem>>
      %dma_start3A_65 = tpu.memref_slice %arg3[%add3A_34] : memref<425984xi32, #tpu.memory_space<hbm>> -> memref<1664xi32, #tpu.memory_space<hbm>>
      %dma_start3A_66 = tpu.memref_slice %arg3[%add3A_34] : memref<425984xi32, #tpu.memory_space<hbm>> -> memref<1664xi32, #tpu.memory_space<hbm>>
      tpu.enqueue_dma source(%dma_start3A_66 : memref<1664xi32, #tpu.memory_space<hbm>>) target(%arg5 : memref<1664xi32, #tpu.memory_space<vmem>>) target_semaphore(%run_scoped3A : memref<!tpu.dma_semaphore, #tpu.memory_space<semaphore_mem>>)
      %dma_wait3A_67 = tpu.memref_slice %arg3[%add3A_34] : memref<425984xi32, #tpu.memory_space<hbm>> -> memref<1664xi32, #tpu.memory_space<hbm>>
      %dma_wait3A_68 = tpu.memref_slice %arg3[%add3A_34] : memref<425984xi32, #tpu.memory_space<hbm>> -> memref<1664xi32, #tpu.memory_space<hbm>>
      tpu.wait_dma2 semaphore(%run_scoped3A : memref<!tpu.dma_semaphore, #tpu.memory_space<semaphore_mem>>) src(%dma_wait3A_68 : memref<1664xi32, #tpu.memory_space<hbm>>) dst(%arg5 : memref<1664xi32, #tpu.memory_space<vmem>>)
      tpu.yield
    }) : () -> ()
    %dma_start3A_35 = arith.constant 0 : i32
    %dma_start3A_36 = arith.constant 0 : i32
    %dma_start3A_37 = tpu.memref_slice %arg2[%dma_start3A_35, %dma_start3A_36] : memref<2600000x32xf32, #tpu.memory_space<hbm>> -> memref<2600000x32xf32, #tpu.memory_space<hbm>>
    tpu.enqueue_indirect_dma source(%dma_start3A_37 : memref<2600000x32xf32, #tpu.memory_space<hbm>>) target(%arg6 : memref<1664x32xf32, #tpu.memory_space<vmem>>) offsets(%arg5 : memref<1664xi32, #tpu.memory_space<vmem>>) semaphore(%arg7 : memref<!tpu.dma_semaphore, #tpu.memory_space<semaphore_mem>>)
    %dma_wait3A_38 = arith.constant 0 : i32
    %dma_wait3A_39 = arith.constant 0 : i32
    %dma_wait3A_40 = tpu.memref_slice %arg2[%dma_wait3A_38, %dma_wait3A_39] : memref<2600000x32xf32, #tpu.memory_space<hbm>> -> memref<2600000x32xf32, #tpu.memory_space<hbm>>
    tpu.wait_indirect_dma semaphore(%arg7 : memref<!tpu.dma_semaphore, #tpu.memory_space<semaphore_mem>>) src(%dma_wait3A_40 : memref<2600000x32xf32, #tpu.memory_space<hbm>>) dst(%arg6 : memref<1664x32xf32, #tpu.memory_space<vmem>>)
    "tpu.region"() ({
      %run_scoped3A = tpu.sem_alloc : memref<!tpu.dma_semaphore, #tpu.memory_space<semaphore_mem>>
      %dma_start3A_65 = arith.constant 0 : i32
      %dma_start3A_66 = tpu.memref_slice %arg4[%add3A_34, %dma_start3A_65] : memref<425984x32xf32, #tpu.memory_space<hbm>> -> memref<1664x32xf32, #tpu.memory_space<hbm>>
      %dma_start3A_67 = arith.constant 0 : i32
      %dma_start3A_68 = tpu.memref_slice %arg4[%add3A_34, %dma_start3A_67] : memref<425984x32xf32, #tpu.memory_space<hbm>> -> memref<1664x32xf32, #tpu.memory_space<hbm>>
      tpu.enqueue_dma source(%arg6 : memref<1664x32xf32, #tpu.memory_space<vmem>>) target(%dma_start3A_68 : memref<1664x32xf32, #tpu.memory_space<hbm>>) target_semaphore(%run_scoped3A : memref<!tpu.dma_semaphore, #tpu.memory_space<semaphore_mem>>)
      %dma_wait3A_69 = arith.constant 0 : i32
      %dma_wait3A_70 = tpu.memref_slice %arg4[%add3A_34, %dma_wait3A_69] : memref<425984x32xf32, #tpu.memory_space<hbm>> -> memref<1664x32xf32, #tpu.memory_space<hbm>>
      %dma_wait3A_71 = arith.constant 0 : i32
      %dma_wait3A_72 = tpu.memref_slice %arg4[%add3A_34, %dma_wait3A_71] : memref<425984x32xf32, #tpu.memory_space<hbm>> -> memref<1664x32xf32, #tpu.memory_space<hbm>>
      tpu.wait_dma2 semaphore(%run_scoped3A : memref<!tpu.dma_semaphore, #tpu.memory_space<semaphore_mem>>) src(%arg6 : memref<1664x32xf32, #tpu.memory_space<vmem>>) dst(%dma_wait3A_72 : memref<1664x32xf32, #tpu.memory_space<hbm>>)
      tpu.yield
    }) : () -> ()
    %add3A_41 = arith.constant 8320 : i32
    %add3A_42 = arith.addi %mul3A_2, %add3A_41 : i32
    "tpu.region"() ({
      %run_scoped3A = tpu.sem_alloc : memref<!tpu.dma_semaphore, #tpu.memory_space<semaphore_mem>>
      %dma_start3A_65 = tpu.memref_slice %arg3[%add3A_42] : memref<425984xi32, #tpu.memory_space<hbm>> -> memref<1664xi32, #tpu.memory_space<hbm>>
      %dma_start3A_66 = tpu.memref_slice %arg3[%add3A_42] : memref<425984xi32, #tpu.memory_space<hbm>> -> memref<1664xi32, #tpu.memory_space<hbm>>
      tpu.enqueue_dma source(%dma_start3A_66 : memref<1664xi32, #tpu.memory_space<hbm>>) target(%arg5 : memref<1664xi32, #tpu.memory_space<vmem>>) target_semaphore(%run_scoped3A : memref<!tpu.dma_semaphore, #tpu.memory_space<semaphore_mem>>)
      %dma_wait3A_67 = tpu.memref_slice %arg3[%add3A_42] : memref<425984xi32, #tpu.memory_space<hbm>> -> memref<1664xi32, #tpu.memory_space<hbm>>
      %dma_wait3A_68 = tpu.memref_slice %arg3[%add3A_42] : memref<425984xi32, #tpu.memory_space<hbm>> -> memref<1664xi32, #tpu.memory_space<hbm>>
      tpu.wait_dma2 semaphore(%run_scoped3A : memref<!tpu.dma_semaphore, #tpu.memory_space<semaphore_mem>>) src(%dma_wait3A_68 : memref<1664xi32, #tpu.memory_space<hbm>>) dst(%arg5 : memref<1664xi32, #tpu.memory_space<vmem>>)
      tpu.yield
    }) : () -> ()
    %dma_start3A_43 = arith.constant 0 : i32
    %dma_start3A_44 = arith.constant 0 : i32
    %dma_start3A_45 = tpu.memref_slice %arg2[%dma_start3A_43, %dma_start3A_44] : memref<2600000x32xf32, #tpu.memory_space<hbm>> -> memref<2600000x32xf32, #tpu.memory_space<hbm>>
    tpu.enqueue_indirect_dma source(%dma_start3A_45 : memref<2600000x32xf32, #tpu.memory_space<hbm>>) target(%arg6 : memref<1664x32xf32, #tpu.memory_space<vmem>>) offsets(%arg5 : memref<1664xi32, #tpu.memory_space<vmem>>) semaphore(%arg7 : memref<!tpu.dma_semaphore, #tpu.memory_space<semaphore_mem>>)
    %dma_wait3A_46 = arith.constant 0 : i32
    %dma_wait3A_47 = arith.constant 0 : i32
    %dma_wait3A_48 = tpu.memref_slice %arg2[%dma_wait3A_46, %dma_wait3A_47] : memref<2600000x32xf32, #tpu.memory_space<hbm>> -> memref<2600000x32xf32, #tpu.memory_space<hbm>>
    tpu.wait_indirect_dma semaphore(%arg7 : memref<!tpu.dma_semaphore, #tpu.memory_space<semaphore_mem>>) src(%dma_wait3A_48 : memref<2600000x32xf32, #tpu.memory_space<hbm>>) dst(%arg6 : memref<1664x32xf32, #tpu.memory_space<vmem>>)
    "tpu.region"() ({
      %run_scoped3A = tpu.sem_alloc : memref<!tpu.dma_semaphore, #tpu.memory_space<semaphore_mem>>
      %dma_start3A_65 = arith.constant 0 : i32
      %dma_start3A_66 = tpu.memref_slice %arg4[%add3A_42, %dma_start3A_65] : memref<425984x32xf32, #tpu.memory_space<hbm>> -> memref<1664x32xf32, #tpu.memory_space<hbm>>
      %dma_start3A_67 = arith.constant 0 : i32
      %dma_start3A_68 = tpu.memref_slice %arg4[%add3A_42, %dma_start3A_67] : memref<425984x32xf32, #tpu.memory_space<hbm>> -> memref<1664x32xf32, #tpu.memory_space<hbm>>
      tpu.enqueue_dma source(%arg6 : memref<1664x32xf32, #tpu.memory_space<vmem>>) target(%dma_start3A_68 : memref<1664x32xf32, #tpu.memory_space<hbm>>) target_semaphore(%run_scoped3A : memref<!tpu.dma_semaphore, #tpu.memory_space<semaphore_mem>>)
      %dma_wait3A_69 = arith.constant 0 : i32
      %dma_wait3A_70 = tpu.memref_slice %arg4[%add3A_42, %dma_wait3A_69] : memref<425984x32xf32, #tpu.memory_space<hbm>> -> memref<1664x32xf32, #tpu.memory_space<hbm>>
      %dma_wait3A_71 = arith.constant 0 : i32
      %dma_wait3A_72 = tpu.memref_slice %arg4[%add3A_42, %dma_wait3A_71] : memref<425984x32xf32, #tpu.memory_space<hbm>> -> memref<1664x32xf32, #tpu.memory_space<hbm>>
      tpu.wait_dma2 semaphore(%run_scoped3A : memref<!tpu.dma_semaphore, #tpu.memory_space<semaphore_mem>>) src(%arg6 : memref<1664x32xf32, #tpu.memory_space<vmem>>) dst(%dma_wait3A_72 : memref<1664x32xf32, #tpu.memory_space<hbm>>)
      tpu.yield
    }) : () -> ()
    %add3A_49 = arith.constant 9984 : i32
    %add3A_50 = arith.addi %mul3A_2, %add3A_49 : i32
    "tpu.region"() ({
      %run_scoped3A = tpu.sem_alloc : memref<!tpu.dma_semaphore, #tpu.memory_space<semaphore_mem>>
      %dma_start3A_65 = tpu.memref_slice %arg3[%add3A_50] : memref<425984xi32, #tpu.memory_space<hbm>> -> memref<1664xi32, #tpu.memory_space<hbm>>
      %dma_start3A_66 = tpu.memref_slice %arg3[%add3A_50] : memref<425984xi32, #tpu.memory_space<hbm>> -> memref<1664xi32, #tpu.memory_space<hbm>>
      tpu.enqueue_dma source(%dma_start3A_66 : memref<1664xi32, #tpu.memory_space<hbm>>) target(%arg5 : memref<1664xi32, #tpu.memory_space<vmem>>) target_semaphore(%run_scoped3A : memref<!tpu.dma_semaphore, #tpu.memory_space<semaphore_mem>>)
      %dma_wait3A_67 = tpu.memref_slice %arg3[%add3A_50] : memref<425984xi32, #tpu.memory_space<hbm>> -> memref<1664xi32, #tpu.memory_space<hbm>>
      %dma_wait3A_68 = tpu.memref_slice %arg3[%add3A_50] : memref<425984xi32, #tpu.memory_space<hbm>> -> memref<1664xi32, #tpu.memory_space<hbm>>
      tpu.wait_dma2 semaphore(%run_scoped3A : memref<!tpu.dma_semaphore, #tpu.memory_space<semaphore_mem>>) src(%dma_wait3A_68 : memref<1664xi32, #tpu.memory_space<hbm>>) dst(%arg5 : memref<1664xi32, #tpu.memory_space<vmem>>)
      tpu.yield
    }) : () -> ()
    %dma_start3A_51 = arith.constant 0 : i32
    %dma_start3A_52 = arith.constant 0 : i32
    %dma_start3A_53 = tpu.memref_slice %arg2[%dma_start3A_51, %dma_start3A_52] : memref<2600000x32xf32, #tpu.memory_space<hbm>> -> memref<2600000x32xf32, #tpu.memory_space<hbm>>
    tpu.enqueue_indirect_dma source(%dma_start3A_53 : memref<2600000x32xf32, #tpu.memory_space<hbm>>) target(%arg6 : memref<1664x32xf32, #tpu.memory_space<vmem>>) offsets(%arg5 : memref<1664xi32, #tpu.memory_space<vmem>>) semaphore(%arg7 : memref<!tpu.dma_semaphore, #tpu.memory_space<semaphore_mem>>)
    %dma_wait3A_54 = arith.constant 0 : i32
    %dma_wait3A_55 = arith.constant 0 : i32
    %dma_wait3A_56 = tpu.memref_slice %arg2[%dma_wait3A_54, %dma_wait3A_55] : memref<2600000x32xf32, #tpu.memory_space<hbm>> -> memref<2600000x32xf32, #tpu.memory_space<hbm>>
    tpu.wait_indirect_dma semaphore(%arg7 : memref<!tpu.dma_semaphore, #tpu.memory_space<semaphore_mem>>) src(%dma_wait3A_56 : memref<2600000x32xf32, #tpu.memory_space<hbm>>) dst(%arg6 : memref<1664x32xf32, #tpu.memory_space<vmem>>)
    "tpu.region"() ({
      %run_scoped3A = tpu.sem_alloc : memref<!tpu.dma_semaphore, #tpu.memory_space<semaphore_mem>>
      %dma_start3A_65 = arith.constant 0 : i32
      %dma_start3A_66 = tpu.memref_slice %arg4[%add3A_50, %dma_start3A_65] : memref<425984x32xf32, #tpu.memory_space<hbm>> -> memref<1664x32xf32, #tpu.memory_space<hbm>>
      %dma_start3A_67 = arith.constant 0 : i32
      %dma_start3A_68 = tpu.memref_slice %arg4[%add3A_50, %dma_start3A_67] : memref<425984x32xf32, #tpu.memory_space<hbm>> -> memref<1664x32xf32, #tpu.memory_space<hbm>>
      tpu.enqueue_dma source(%arg6 : memref<1664x32xf32, #tpu.memory_space<vmem>>) target(%dma_start3A_68 : memref<1664x32xf32, #tpu.memory_space<hbm>>) target_semaphore(%run_scoped3A : memref<!tpu.dma_semaphore, #tpu.memory_space<semaphore_mem>>)
      %dma_wait3A_69 = arith.constant 0 : i32
      %dma_wait3A_70 = tpu.memref_slice %arg4[%add3A_50, %dma_wait3A_69] : memref<425984x32xf32, #tpu.memory_space<hbm>> -> memref<1664x32xf32, #tpu.memory_space<hbm>>
      %dma_wait3A_71 = arith.constant 0 : i32
      %dma_wait3A_72 = tpu.memref_slice %arg4[%add3A_50, %dma_wait3A_71] : memref<425984x32xf32, #tpu.memory_space<hbm>> -> memref<1664x32xf32, #tpu.memory_space<hbm>>
      tpu.wait_dma2 semaphore(%run_scoped3A : memref<!tpu.dma_semaphore, #tpu.memory_space<semaphore_mem>>) src(%arg6 : memref<1664x32xf32, #tpu.memory_space<vmem>>) dst(%dma_wait3A_72 : memref<1664x32xf32, #tpu.memory_space<hbm>>)
      tpu.yield
    }) : () -> ()
    %add3A_57 = arith.constant 11648 : i32
    %add3A_58 = arith.addi %mul3A_2, %add3A_57 : i32
    "tpu.region"() ({
      %run_scoped3A = tpu.sem_alloc : memref<!tpu.dma_semaphore, #tpu.memory_space<semaphore_mem>>
      %dma_start3A_65 = tpu.memref_slice %arg3[%add3A_58] : memref<425984xi32, #tpu.memory_space<hbm>> -> memref<1664xi32, #tpu.memory_space<hbm>>
      %dma_start3A_66 = tpu.memref_slice %arg3[%add3A_58] : memref<425984xi32, #tpu.memory_space<hbm>> -> memref<1664xi32, #tpu.memory_space<hbm>>
      tpu.enqueue_dma source(%dma_start3A_66 : memref<1664xi32, #tpu.memory_space<hbm>>) target(%arg5 : memref<1664xi32, #tpu.memory_space<vmem>>) target_semaphore(%run_scoped3A : memref<!tpu.dma_semaphore, #tpu.memory_space<semaphore_mem>>)
      %dma_wait3A_67 = tpu.memref_slice %arg3[%add3A_58] : memref<425984xi32, #tpu.memory_space<hbm>> -> memref<1664xi32, #tpu.memory_space<hbm>>
      %dma_wait3A_68 = tpu.memref_slice %arg3[%add3A_58] : memref<425984xi32, #tpu.memory_space<hbm>> -> memref<1664xi32, #tpu.memory_space<hbm>>
      tpu.wait_dma2 semaphore(%run_scoped3A : memref<!tpu.dma_semaphore, #tpu.memory_space<semaphore_mem>>) src(%dma_wait3A_68 : memref<1664xi32, #tpu.memory_space<hbm>>) dst(%arg5 : memref<1664xi32, #tpu.memory_space<vmem>>)
      tpu.yield
    }) : () -> ()
    %dma_start3A_59 = arith.constant 0 : i32
    %dma_start3A_60 = arith.constant 0 : i32
    %dma_start3A_61 = tpu.memref_slice %arg2[%dma_start3A_59, %dma_start3A_60] : memref<2600000x32xf32, #tpu.memory_space<hbm>> -> memref<2600000x32xf32, #tpu.memory_space<hbm>>
    tpu.enqueue_indirect_dma source(%dma_start3A_61 : memref<2600000x32xf32, #tpu.memory_space<hbm>>) target(%arg6 : memref<1664x32xf32, #tpu.memory_space<vmem>>) offsets(%arg5 : memref<1664xi32, #tpu.memory_space<vmem>>) semaphore(%arg7 : memref<!tpu.dma_semaphore, #tpu.memory_space<semaphore_mem>>)
    %dma_wait3A_62 = arith.constant 0 : i32
    %dma_wait3A_63 = arith.constant 0 : i32
    %dma_wait3A_64 = tpu.memref_slice %arg2[%dma_wait3A_62, %dma_wait3A_63] : memref<2600000x32xf32, #tpu.memory_space<hbm>> -> memref<2600000x32xf32, #tpu.memory_space<hbm>>
    tpu.wait_indirect_dma semaphore(%arg7 : memref<!tpu.dma_semaphore, #tpu.memory_space<semaphore_mem>>) src(%dma_wait3A_64 : memref<2600000x32xf32, #tpu.memory_space<hbm>>) dst(%arg6 : memref<1664x32xf32, #tpu.memory_space<vmem>>)
    "tpu.region"() ({
      %run_scoped3A = tpu.sem_alloc : memref<!tpu.dma_semaphore, #tpu.memory_space<semaphore_mem>>
      %dma_start3A_65 = arith.constant 0 : i32
      %dma_start3A_66 = tpu.memref_slice %arg4[%add3A_58, %dma_start3A_65] : memref<425984x32xf32, #tpu.memory_space<hbm>> -> memref<1664x32xf32, #tpu.memory_space<hbm>>
      %dma_start3A_67 = arith.constant 0 : i32
      %dma_start3A_68 = tpu.memref_slice %arg4[%add3A_58, %dma_start3A_67] : memref<425984x32xf32, #tpu.memory_space<hbm>> -> memref<1664x32xf32, #tpu.memory_space<hbm>>
      tpu.enqueue_dma source(%arg6 : memref<1664x32xf32, #tpu.memory_space<vmem>>) target(%dma_start3A_68 : memref<1664x32xf32, #tpu.memory_space<hbm>>) target_semaphore(%run_scoped3A : memref<!tpu.dma_semaphore, #tpu.memory_space<semaphore_mem>>)
      %dma_wait3A_69 = arith.constant 0 : i32
      %dma_wait3A_70 = tpu.memref_slice %arg4[%add3A_58, %dma_wait3A_69] : memref<425984x32xf32, #tpu.memory_space<hbm>> -> memref<1664x32xf32, #tpu.memory_space<hbm>>
      %dma_wait3A_71 = arith.constant 0 : i32
      %dma_wait3A_72 = tpu.memref_slice %arg4[%add3A_58, %dma_wait3A_71] : memref<425984x32xf32, #tpu.memory_space<hbm>> -> memref<1664x32xf32, #tpu.memory_space<hbm>>
      tpu.wait_dma2 semaphore(%run_scoped3A : memref<!tpu.dma_semaphore, #tpu.memory_space<semaphore_mem>>) src(%arg6 : memref<1664x32xf32, #tpu.memory_space<vmem>>) dst(%dma_wait3A_72 : memref<1664x32xf32, #tpu.memory_space<hbm>>)
      tpu.yield
    }) : () -> ()
    return
  }
}

module attributes {stable_mosaic.version = 14 : i64} {
  func.func @body(%arg0: i32, %arg1: memref<832x100000xf32, #tpu.memory_space<any>>, %arg2: memref<650000x128xf32, #tpu.memory_space<any>>, %arg3: memref<2x32x100000xf32, #tpu.memory_space<vmem>>, %arg4: memref<25000x128xf32, #tpu.memory_space<vmem>>, %arg5: memref<3x!tpu.dma_semaphore, #tpu.memory_space<semaphore_mem>>) attributes {dimension_semantics = [#tpu.dimension_semantics<arbitrary>], iteration_bounds = array<i64: 26>, scalar_prefetch = 0 : i64, scratch_operands = 3 : i64, tpu.core_type = #tpu.core_type<tc>, window_params = [{}, {}]} {
    %rem3A = arith.constant 2 : i32
    %rem3A_0 = arith.remsi %arg0, %rem3A : i32
    %eq3A = arith.constant 0 : i32
    %eq3A_1 = arith.cmpi eq, %arg0, %eq3A : i32
    %convert_element_type3A = arith.extui %eq3A_1 : i1 to i32
    %cond3A = arith.constant 0 : i32
    %cond3A_2 = arith.cmpi ne, %convert_element_type3A, %cond3A : i32
    scf.if %cond3A_2 {
      %dma_start3A_63 = arith.constant 0 : i32
      %dma_start3A_64 = arith.constant 0 : i32
      %dma_start3A_65 = tpu.memref_slice %arg5[%dma_start3A_64] : memref<3x!tpu.dma_semaphore, #tpu.memory_space<semaphore_mem>> -> memref<1x!tpu.dma_semaphore, #tpu.memory_space<semaphore_mem>>
      %dma_start3A_66 = tpu.memref_squeeze %dma_start3A_65 : memref<1x!tpu.dma_semaphore, #tpu.memory_space<semaphore_mem>> -> memref<!tpu.dma_semaphore, #tpu.memory_space<semaphore_mem>>
      %dma_start3A_67 = arith.constant 0 : i32
      %dma_start3A_68 = arith.constant 0 : i32
      %dma_start3A_69 = tpu.memref_slice %arg3[%dma_start3A_63, %dma_start3A_67, %dma_start3A_68] : memref<2x32x100000xf32, #tpu.memory_space<vmem>> -> memref<1x32x100000xf32, #tpu.memory_space<vmem>>
      %dma_start3A_70 = tpu.memref_squeeze %dma_start3A_69 : memref<1x32x100000xf32, #tpu.memory_space<vmem>> -> memref<32x100000xf32, #tpu.memory_space<vmem>>
      %dma_start3A_71 = arith.constant 0 : i32
      %dma_start3A_72 = arith.constant 0 : i32
      %dma_start3A_73 = tpu.memref_slice %arg1[%dma_start3A_71, %dma_start3A_72] : memref<832x100000xf32, #tpu.memory_space<any>> -> memref<32x100000xf32, #tpu.memory_space<any>>
      tpu.enqueue_dma source(%dma_start3A_73 : memref<32x100000xf32, #tpu.memory_space<any>>) target(%dma_start3A_70 : memref<32x100000xf32, #tpu.memory_space<vmem>>) target_semaphore(%dma_start3A_66 : memref<!tpu.dma_semaphore, #tpu.memory_space<semaphore_mem>>)
    } else {
    }
    %lt3A = arith.constant 25 : i32
    %lt3A_3 = arith.cmpi slt, %arg0, %lt3A : i32
    %convert_element_type3A_4 = arith.extui %lt3A_3 : i1 to i32
    %cond3A_5 = arith.constant 0 : i32
    %cond3A_6 = arith.cmpi ne, %convert_element_type3A_4, %cond3A_5 : i32
    scf.if %cond3A_6 {
      %add3A = arith.constant 1 : i32
      %add3A_63 = arith.addi %arg0, %add3A : i32
      %sub3A = arith.constant 1 : i32
      %sub3A_64 = arith.subi %sub3A, %rem3A_0 : i32
      %mul3A_65 = arith.constant 32 : i32
      %mul3A_66 = arith.muli %add3A_63, %mul3A_65 : i32
      %dma_start3A_67 = tpu.memref_slice %arg5[%sub3A_64] : memref<3x!tpu.dma_semaphore, #tpu.memory_space<semaphore_mem>> -> memref<1x!tpu.dma_semaphore, #tpu.memory_space<semaphore_mem>>
      %dma_start3A_68 = tpu.memref_squeeze %dma_start3A_67 : memref<1x!tpu.dma_semaphore, #tpu.memory_space<semaphore_mem>> -> memref<!tpu.dma_semaphore, #tpu.memory_space<semaphore_mem>>
      %dma_start3A_69 = arith.constant 0 : i32
      %dma_start3A_70 = arith.constant 0 : i32
      %dma_start3A_71 = tpu.memref_slice %arg3[%sub3A_64, %dma_start3A_69, %dma_start3A_70] : memref<2x32x100000xf32, #tpu.memory_space<vmem>> -> memref<1x32x100000xf32, #tpu.memory_space<vmem>>
      %dma_start3A_72 = tpu.memref_squeeze %dma_start3A_71 : memref<1x32x100000xf32, #tpu.memory_space<vmem>> -> memref<32x100000xf32, #tpu.memory_space<vmem>>
      %dma_start3A_73 = arith.constant 0 : i32
      %dma_start3A_74 = tpu.memref_slice %arg1[%mul3A_66, %dma_start3A_73] : memref<832x100000xf32, #tpu.memory_space<any>> -> memref<32x100000xf32, #tpu.memory_space<any>>
      tpu.enqueue_dma source(%dma_start3A_74 : memref<32x100000xf32, #tpu.memory_space<any>>) target(%dma_start3A_72 : memref<32x100000xf32, #tpu.memory_space<vmem>>) target_semaphore(%dma_start3A_68 : memref<!tpu.dma_semaphore, #tpu.memory_space<semaphore_mem>>)
    } else {
    }
    %mul3A = arith.constant 32 : i32
    %mul3A_7 = arith.muli %arg0, %mul3A : i32
    %dma_wait3A = tpu.memref_slice %arg5[%rem3A_0] : memref<3x!tpu.dma_semaphore, #tpu.memory_space<semaphore_mem>> -> memref<1x!tpu.dma_semaphore, #tpu.memory_space<semaphore_mem>>
    %dma_wait3A_8 = tpu.memref_squeeze %dma_wait3A : memref<1x!tpu.dma_semaphore, #tpu.memory_space<semaphore_mem>> -> memref<!tpu.dma_semaphore, #tpu.memory_space<semaphore_mem>>
    %dma_wait3A_9 = arith.constant 0 : i32
    %dma_wait3A_10 = arith.constant 0 : i32
    %dma_wait3A_11 = tpu.memref_slice %arg3[%rem3A_0, %dma_wait3A_9, %dma_wait3A_10] : memref<2x32x100000xf32, #tpu.memory_space<vmem>> -> memref<1x32x100000xf32, #tpu.memory_space<vmem>>
    %dma_wait3A_12 = tpu.memref_squeeze %dma_wait3A_11 : memref<1x32x100000xf32, #tpu.memory_space<vmem>> -> memref<32x100000xf32, #tpu.memory_space<vmem>>
    %dma_wait3A_13 = arith.constant 0 : i32
    %dma_wait3A_14 = tpu.memref_slice %arg1[%mul3A_7, %dma_wait3A_13] : memref<832x100000xf32, #tpu.memory_space<any>> -> memref<32x100000xf32, #tpu.memory_space<any>>
    tpu.wait_dma2 semaphore(%dma_wait3A_8 : memref<!tpu.dma_semaphore, #tpu.memory_space<semaphore_mem>>) src(%dma_wait3A_14 : memref<32x100000xf32, #tpu.memory_space<any>>) dst(%dma_wait3A_12 : memref<32x100000xf32, #tpu.memory_space<vmem>>)
    %ge3A = arith.constant 1 : i32
    %ge3A_15 = arith.cmpi sge, %arg0, %ge3A : i32
    %convert_element_type3A_16 = arith.extui %ge3A_15 : i1 to i32
    %cond3A_17 = arith.constant 0 : i32
    %cond3A_18 = arith.cmpi ne, %convert_element_type3A_16, %cond3A_17 : i32
    scf.if %cond3A_18 {
      %sub3A = arith.constant 1 : i32
      %sub3A_63 = arith.subi %arg0, %sub3A : i32
      %mul3A_64 = arith.constant 25000 : i32
      %mul3A_65 = arith.muli %sub3A_63, %mul3A_64 : i32
      %dma_wait3A_66 = arith.constant 2 : i32
      %dma_wait3A_67 = tpu.memref_slice %arg5[%dma_wait3A_66] : memref<3x!tpu.dma_semaphore, #tpu.memory_space<semaphore_mem>> -> memref<1x!tpu.dma_semaphore, #tpu.memory_space<semaphore_mem>>
      %dma_wait3A_68 = tpu.memref_squeeze %dma_wait3A_67 : memref<1x!tpu.dma_semaphore, #tpu.memory_space<semaphore_mem>> -> memref<!tpu.dma_semaphore, #tpu.memory_space<semaphore_mem>>
      %dma_wait3A_69 = arith.constant 0 : i32
      %dma_wait3A_70 = tpu.memref_slice %arg2[%mul3A_65, %dma_wait3A_69] : memref<650000x128xf32, #tpu.memory_space<any>> -> memref<25000x128xf32, #tpu.memory_space<any>>
      tpu.wait_dma2 semaphore(%dma_wait3A_68 : memref<!tpu.dma_semaphore, #tpu.memory_space<semaphore_mem>>) src(%arg4 : memref<25000x128xf32, #tpu.memory_space<vmem>>) dst(%dma_wait3A_70 : memref<25000x128xf32, #tpu.memory_space<any>>)
    } else {
    }
    %get3A = arith.index_cast %rem3A_0 : i32 to index
    %get3A_19 = arith.constant 0 : index
    %get3A_20 = arith.constant 0 : index
    %get3A_21 = vector.load %arg3[%get3A, %get3A_19, %get3A_20] : memref<2x32x100000xf32, #tpu.memory_space<vmem>>, vector<1x32x25000xf32>
    %get3A_22 = vector.shape_cast %get3A_21 : vector<1x32x25000xf32> to vector<32x25000xf32>
    %transpose3A = tpu.transpose %get3A_22, [1, 0] : vector<32x25000xf32> -> vector<25000x32xf32>
    %swap3A = arith.constant 0 : index
    %swap3A_23 = arith.constant 0 : index
    %swap3A_24 = vector.load %arg4[%swap3A, %swap3A_23] : memref<25000x128xf32, #tpu.memory_space<vmem>>, vector<25000x32xf32>
    tpu.vector_store %arg4[%swap3A, %swap3A_23], %transpose3A {strides = array<i32>} : memref<25000x128xf32, #tpu.memory_space<vmem>>, vector<25000x32xf32>,
    %get3A_25 = arith.index_cast %rem3A_0 : i32 to index
    %get3A_26 = arith.constant 0 : index
    %get3A_27 = arith.constant 25000 : index
    %get3A_28 = vector.load %arg3[%get3A_25, %get3A_26, %get3A_27] : memref<2x32x100000xf32, #tpu.memory_space<vmem>>, vector<1x32x25000xf32>
    %get3A_29 = vector.shape_cast %get3A_28 : vector<1x32x25000xf32> to vector<32x25000xf32>
    %transpose3A_30 = tpu.transpose %get3A_29, [1, 0] : vector<32x25000xf32> -> vector<25000x32xf32>
    %swap3A_31 = arith.constant 0 : index
    %swap3A_32 = arith.constant 32 : index
    %swap3A_33 = vector.load %arg4[%swap3A_31, %swap3A_32] : memref<25000x128xf32, #tpu.memory_space<vmem>>, vector<25000x32xf32>
    tpu.vector_store %arg4[%swap3A_31, %swap3A_32], %transpose3A_30 {strides = array<i32>} : memref<25000x128xf32, #tpu.memory_space<vmem>>, vector<25000x32xf32>,
    %get3A_34 = arith.index_cast %rem3A_0 : i32 to index
    %get3A_35 = arith.constant 0 : index
    %get3A_36 = arith.constant 50000 : index
    %get3A_37 = vector.load %arg3[%get3A_34, %get3A_35, %get3A_36] : memref<2x32x100000xf32, #tpu.memory_space<vmem>>, vector<1x32x25000xf32>
    %get3A_38 = vector.shape_cast %get3A_37 : vector<1x32x25000xf32> to vector<32x25000xf32>
    %transpose3A_39 = tpu.transpose %get3A_38, [1, 0] : vector<32x25000xf32> -> vector<25000x32xf32>
    %swap3A_40 = arith.constant 0 : index
    %swap3A_41 = arith.constant 64 : index
    %swap3A_42 = vector.load %arg4[%swap3A_40, %swap3A_41] : memref<25000x128xf32, #tpu.memory_space<vmem>>, vector<25000x32xf32>
    tpu.vector_store %arg4[%swap3A_40, %swap3A_41], %transpose3A_39 {strides = array<i32>} : memref<25000x128xf32, #tpu.memory_space<vmem>>, vector<25000x32xf32>,
    %get3A_43 = arith.index_cast %rem3A_0 : i32 to index
    %get3A_44 = arith.constant 0 : index
    %get3A_45 = arith.constant 75000 : index
    %get3A_46 = vector.load %arg3[%get3A_43, %get3A_44, %get3A_45] : memref<2x32x100000xf32, #tpu.memory_space<vmem>>, vector<1x32x25000xf32>
    %get3A_47 = vector.shape_cast %get3A_46 : vector<1x32x25000xf32> to vector<32x25000xf32>
    %transpose3A_48 = tpu.transpose %get3A_47, [1, 0] : vector<32x25000xf32> -> vector<25000x32xf32>
    %swap3A_49 = arith.constant 0 : index
    %swap3A_50 = arith.constant 96 : index
    %swap3A_51 = vector.load %arg4[%swap3A_49, %swap3A_50] : memref<25000x128xf32, #tpu.memory_space<vmem>>, vector<25000x32xf32>
    tpu.vector_store %arg4[%swap3A_49, %swap3A_50], %transpose3A_48 {strides = array<i32>} : memref<25000x128xf32, #tpu.memory_space<vmem>>, vector<25000x32xf32>,
    %mul3A_52 = arith.constant 25000 : i32
    %mul3A_53 = arith.muli %arg0, %mul3A_52 : i32
    %dma_start3A = arith.constant 2 : i32
    %dma_start3A_54 = tpu.memref_slice %arg5[%dma_start3A] : memref<3x!tpu.dma_semaphore, #tpu.memory_space<semaphore_mem>> -> memref<1x!tpu.dma_semaphore, #tpu.memory_space<semaphore_mem>>
    %dma_start3A_55 = tpu.memref_squeeze %dma_start3A_54 : memref<1x!tpu.dma_semaphore, #tpu.memory_space<semaphore_mem>> -> memref<!tpu.dma_semaphore, #tpu.memory_space<semaphore_mem>>
    %dma_start3A_56 = arith.constant 0 : i32
    %dma_start3A_57 = tpu.memref_slice %arg2[%mul3A_53, %dma_start3A_56] : memref<650000x128xf32, #tpu.memory_space<any>> -> memref<25000x128xf32, #tpu.memory_space<any>>
    tpu.enqueue_dma source(%arg4 : memref<25000x128xf32, #tpu.memory_space<vmem>>) target(%dma_start3A_57 : memref<25000x128xf32, #tpu.memory_space<any>>) target_semaphore(%dma_start3A_55 : memref<!tpu.dma_semaphore, #tpu.memory_space<semaphore_mem>>)
    %ge3A_58 = arith.constant 25 : i32
    %ge3A_59 = arith.cmpi sge, %arg0, %ge3A_58 : i32
    %convert_element_type3A_60 = arith.extui %ge3A_59 : i1 to i32
    %cond3A_61 = arith.constant 0 : i32
    %cond3A_62 = arith.cmpi ne, %convert_element_type3A_60, %cond3A_61 : i32
    scf.if %cond3A_62 {
      %mul3A_63 = arith.constant 25000 : i32
      %mul3A_64 = arith.muli %arg0, %mul3A_63 : i32
      %dma_wait3A_65 = arith.constant 2 : i32
      %dma_wait3A_66 = tpu.memref_slice %arg5[%dma_wait3A_65] : memref<3x!tpu.dma_semaphore, #tpu.memory_space<semaphore_mem>> -> memref<1x!tpu.dma_semaphore, #tpu.memory_space<semaphore_mem>>
      %dma_wait3A_67 = tpu.memref_squeeze %dma_wait3A_66 : memref<1x!tpu.dma_semaphore, #tpu.memory_space<semaphore_mem>> -> memref<!tpu.dma_semaphore, #tpu.memory_space<semaphore_mem>>
      %dma_wait3A_68 = arith.constant 0 : i32
      %dma_wait3A_69 = tpu.memref_slice %arg2[%mul3A_64, %dma_wait3A_68] : memref<650000x128xf32, #tpu.memory_space<any>> -> memref<25000x128xf32, #tpu.memory_space<any>>
      tpu.wait_dma2 semaphore(%dma_wait3A_67 : memref<!tpu.dma_semaphore, #tpu.memory_space<semaphore_mem>>) src(%arg4 : memref<25000x128xf32, #tpu.memory_space<vmem>>) dst(%dma_wait3A_69 : memref<25000x128xf32, #tpu.memory_space<any>>)
    } else {
    }
    return
  }
}

module attributes {stable_mosaic.version = 14 : i64} {
  func.func @_tc_body(%arg0: i32, %arg1: memref<13x2048xf32, #tpu.memory_space<vmem>>, %arg2: memref<2048x832xf32, #tpu.memory_space<vmem>>, %arg3: memref<512x13xf32, #tpu.memory_space<vmem>>, %arg4: memref<512x1xf32, #tpu.memory_space<vmem>>, %arg5: memref<256x512xf32, #tpu.memory_space<vmem>>, %arg6: memref<256x1xf32, #tpu.memory_space<vmem>>, %arg7: memref<32x256xf32, #tpu.memory_space<vmem>>, %arg8: memref<32x1xf32, #tpu.memory_space<vmem>>, %arg9: memref<1024x383xf32, #tpu.memory_space<vmem>>, %arg10: memref<1024x1xf32, #tpu.memory_space<vmem>>, %arg11: memref<1024x1024xf32, #tpu.memory_space<vmem>>, %arg12: memref<1024x1xf32, #tpu.memory_space<vmem>>, %arg13: memref<512x1024xf32, #tpu.memory_space<vmem>>, %arg14: memref<512x1xf32, #tpu.memory_space<vmem>>, %arg15: memref<256x512xf32, #tpu.memory_space<vmem>>, %arg16: memref<256x1xf32, #tpu.memory_space<vmem>>, %arg17: memref<1x256xf32, #tpu.memory_space<vmem>>, %arg18: memref<1x1xf32, #tpu.memory_space<vmem>>, %arg19: memref<1x2048xf32, #tpu.memory_space<vmem>>) attributes {dimension_semantics = [#tpu.dimension_semantics<arbitrary>], iteration_bounds = array<i64: 8>, scalar_prefetch = 0 : i64, scratch_operands = 0 : i64, tpu.core_type = #tpu.core_type<tc>, window_params = [{transform_indices = @transform_0, window_bounds = array<i64: 13, 2048>}, {transform_indices = @transform_1, window_bounds = array<i64: 2048, 832>}, {pipeline_mode = #tpu.pipeline_mode<synchronous>, transform_indices = @transform_2, window_bounds = array<i64: 512, 13>}, {pipeline_mode = #tpu.pipeline_mode<synchronous>, transform_indices = @transform_3, window_bounds = array<i64: 512, 1>}, {pipeline_mode = #tpu.pipeline_mode<synchronous>, transform_indices = @transform_4, window_bounds = array<i64: 256, 512>}, {pipeline_mode = #tpu.pipeline_mode<synchronous>, transform_indices = @transform_5, window_bounds = array<i64: 256, 1>}, {pipeline_mode = #tpu.pipeline_mode<synchronous>, transform_indices = @transform_6, window_bounds = array<i64: 32, 256>}, {pipeline_mode = #tpu.pipeline_mode<synchronous>, transform_indices = @transform_7, window_bounds = array<i64: 32, 1>}, {pipeline_mode = #tpu.pipeline_mode<synchronous>, transform_indices = @transform_8, window_bounds = array<i64: 1024, 383>}, {pipeline_mode = #tpu.pipeline_mode<synchronous>, transform_indices = @transform_9, window_bounds = array<i64: 1024, 1>}, {pipeline_mode = #tpu.pipeline_mode<synchronous>, transform_indices = @transform_10, window_bounds = array<i64: 1024, 1024>}, {pipeline_mode = #tpu.pipeline_mode<synchronous>, transform_indices = @transform_11, window_bounds = array<i64: 1024, 1>}, {pipeline_mode = #tpu.pipeline_mode<synchronous>, transform_indices = @transform_12, window_bounds = array<i64: 512, 1024>}, {pipeline_mode = #tpu.pipeline_mode<synchronous>, transform_indices = @transform_13, window_bounds = array<i64: 512, 1>}, {pipeline_mode = #tpu.pipeline_mode<synchronous>, transform_indices = @transform_14, window_bounds = array<i64: 256, 512>}, {pipeline_mode = #tpu.pipeline_mode<synchronous>, transform_indices = @transform_15, window_bounds = array<i64: 256, 1>}, {pipeline_mode = #tpu.pipeline_mode<synchronous>, transform_indices = @transform_16, window_bounds = array<i64: 1, 256>}, {pipeline_mode = #tpu.pipeline_mode<synchronous>, transform_indices = @transform_17, window_bounds = array<i64: 1, 1>}, {transform_indices = @transform_18, window_bounds = array<i64: 1, 2048>}]} {
    %get3A = arith.constant 0 : index
    %get3A_0 = arith.constant 0 : index
    %get3A_1 = vector.load %arg1[%get3A, %get3A_0] : memref<13x2048xf32, #tpu.memory_space<vmem>>, vector<13x2048xf32>
    %get3A_2 = arith.constant 0 : index
    %get3A_3 = arith.constant 0 : index
    %get3A_4 = vector.load %arg3[%get3A_2, %get3A_3] : memref<512x13xf32, #tpu.memory_space<vmem>>, vector<512x13xf32>
    %dot_general3A = arith.constant dense<0.000000e+00> : vector<512x2048xf32>
    %dot_general3A_5 = tpu.matmul %get3A_4, %get3A_1, %dot_general3A {dimension_numbers = #tpu.dot_dimension_numbers<[1], [0], [0], [1], [0, 0, 1, 1], [], []>, transpose_lhs_hint = false} : vector<512x13xf32>, vector<13x2048xf32>, vector<512x2048xf32> -> vector<512x2048xf32>
    %get3A_6 = arith.constant 0 : index
    %get3A_7 = arith.constant 0 : index
    %get3A_8 = vector.load %arg4[%get3A_6, %get3A_7] : memref<512x1xf32, #tpu.memory_space<vmem>>, vector<512x1xf32>
    %add3A = vector.broadcast %get3A_8 : vector<512x1xf32> to vector<512x2048xf32>
    %add3A_9 = arith.addf %dot_general3A_5, %add3A : vector<512x2048xf32>
    %max3A = arith.constant 0.000000e+00 : f32
    %max3A_10 = vector.broadcast %max3A : f32 to vector<512x2048xf32>
    %max3A_11 = arith.maximumf %add3A_9, %max3A_10 : vector<512x2048xf32>
    %get3A_12 = arith.constant 0 : index
    %get3A_13 = arith.constant 0 : index
    %get3A_14 = vector.load %arg5[%get3A_12, %get3A_13] : memref<256x512xf32, #tpu.memory_space<vmem>>, vector<256x512xf32>
    %dot_general3A_15 = arith.constant dense<0.000000e+00> : vector<256x2048xf32>
    %dot_general3A_16 = tpu.matmul %get3A_14, %max3A_11, %dot_general3A_15 {dimension_numbers = #tpu.dot_dimension_numbers<[1], [0], [0], [1], [0, 0, 1, 1], [], []>, transpose_lhs_hint = false} : vector<256x512xf32>, vector<512x2048xf32>, vector<256x2048xf32> -> vector<256x2048xf32>
    %get3A_17 = arith.constant 0 : index
    %get3A_18 = arith.constant 0 : index
    %get3A_19 = vector.load %arg6[%get3A_17, %get3A_18] : memref<256x1xf32, #tpu.memory_space<vmem>>, vector<256x1xf32>
    %add3A_20 = vector.broadcast %get3A_19 : vector<256x1xf32> to vector<256x2048xf32>
    %add3A_21 = arith.addf %dot_general3A_16, %add3A_20 : vector<256x2048xf32>
    %max3A_22 = arith.constant 0.000000e+00 : f32
    %max3A_23 = vector.broadcast %max3A_22 : f32 to vector<256x2048xf32>
    %max3A_24 = arith.maximumf %add3A_21, %max3A_23 : vector<256x2048xf32>
    %get3A_25 = arith.constant 0 : index
    %get3A_26 = arith.constant 0 : index
    %get3A_27 = vector.load %arg7[%get3A_25, %get3A_26] : memref<32x256xf32, #tpu.memory_space<vmem>>, vector<32x256xf32>
    %dot_general3A_28 = arith.constant dense<0.000000e+00> : vector<32x2048xf32>
    %dot_general3A_29 = tpu.matmul %get3A_27, %max3A_24, %dot_general3A_28 {dimension_numbers = #tpu.dot_dimension_numbers<[1], [0], [0], [1], [0, 0, 1, 1], [], []>, transpose_lhs_hint = false} : vector<32x256xf32>, vector<256x2048xf32>, vector<32x2048xf32> -> vector<32x2048xf32>
    %get3A_30 = arith.constant 0 : index
    %get3A_31 = arith.constant 0 : index
    %get3A_32 = vector.load %arg8[%get3A_30, %get3A_31] : memref<32x1xf32, #tpu.memory_space<vmem>>, vector<32x1xf32>
    %add3A_33 = vector.broadcast %get3A_32 : vector<32x1xf32> to vector<32x2048xf32>
    %add3A_34 = arith.addf %dot_general3A_29, %add3A_33 : vector<32x2048xf32>
    %max3A_35 = arith.constant 0.000000e+00 : f32
    %max3A_36 = vector.broadcast %max3A_35 : f32 to vector<32x2048xf32>
    %max3A_37 = arith.maximumf %add3A_34, %max3A_36 : vector<32x2048xf32>
    %get3A_38 = arith.constant 0 : index
    %get3A_39 = arith.constant 0 : index
    %get3A_40 = vector.load %arg2[%get3A_38, %get3A_39] : memref<2048x832xf32, #tpu.memory_space<vmem>>, vector<2048x832xf32>
    %transpose3A = tpu.transpose %get3A_40, [1, 0] : vector<2048x832xf32> -> vector<832x2048xf32>
    %reshape3A = vector.shape_cast %transpose3A : vector<832x2048xf32> to vector<26x32x2048xf32>
    %broadcast_in_dim3A = vector.shape_cast %max3A_37 : vector<32x2048xf32> to vector<1x32x2048xf32>
    %mul3A = vector.broadcast %broadcast_in_dim3A : vector<1x32x2048xf32> to vector<26x32x2048xf32>
    %mul3A_41 = arith.mulf %reshape3A, %mul3A : vector<26x32x2048xf32>
    %reduce_sum3A = arith.constant dense<0.000000e+00> : vector<26x2048xf32>
    %reduce_sum3A_42 = vector.multi_reduction <add>, %mul3A_41, %reduce_sum3A [1] : vector<26x32x2048xf32> to vector<26x2048xf32>
    %slice3A = vector.extract_strided_slice %reshape3A {offsets = [1, 0, 0], sizes = [25, 32, 2048], strides = [1, 1, 1]} : vector<26x32x2048xf32> to vector<25x32x2048xf32>
    %slice3A_43 = vector.extract_strided_slice %reshape3A {offsets = [0, 0, 0], sizes = [25, 32, 2048], strides = [1, 1, 1]} : vector<26x32x2048xf32> to vector<25x32x2048xf32>
    %mul3A_44 = arith.mulf %slice3A, %slice3A_43 : vector<25x32x2048xf32>
    %reduce_sum3A_45 = arith.constant dense<0.000000e+00> : vector<25x2048xf32>
    %reduce_sum3A_46 = vector.multi_reduction <add>, %mul3A_44, %reduce_sum3A_45 [1] : vector<25x32x2048xf32> to vector<25x2048xf32>
    %slice3A_47 = vector.extract_strided_slice %reshape3A {offsets = [2, 0, 0], sizes = [24, 32, 2048], strides = [1, 1, 1]} : vector<26x32x2048xf32> to vector<24x32x2048xf32>
    %slice3A_48 = vector.extract_strided_slice %reshape3A {offsets = [0, 0, 0], sizes = [24, 32, 2048], strides = [1, 1, 1]} : vector<26x32x2048xf32> to vector<24x32x2048xf32>
    %mul3A_49 = arith.mulf %slice3A_47, %slice3A_48 : vector<24x32x2048xf32>
    %reduce_sum3A_50 = arith.constant dense<0.000000e+00> : vector<24x2048xf32>
    %reduce_sum3A_51 = vector.multi_reduction <add>, %mul3A_49, %reduce_sum3A_50 [1] : vector<24x32x2048xf32> to vector<24x2048xf32>
    %slice3A_52 = vector.extract_strided_slice %reshape3A {offsets = [3, 0, 0], sizes = [23, 32, 2048], strides = [1, 1, 1]} : vector<26x32x2048xf32> to vector<23x32x2048xf32>
    %slice3A_53 = vector.extract_strided_slice %reshape3A {offsets = [0, 0, 0], sizes = [23, 32, 2048], strides = [1, 1, 1]} : vector<26x32x2048xf32> to vector<23x32x2048xf32>
    %mul3A_54 = arith.mulf %slice3A_52, %slice3A_53 : vector<23x32x2048xf32>
    %reduce_sum3A_55 = arith.constant dense<0.000000e+00> : vector<23x2048xf32>
    %reduce_sum3A_56 = vector.multi_reduction <add>, %mul3A_54, %reduce_sum3A_55 [1] : vector<23x32x2048xf32> to vector<23x2048xf32>
    %slice3A_57 = vector.extract_strided_slice %reshape3A {offsets = [4, 0, 0], sizes = [22, 32, 2048], strides = [1, 1, 1]} : vector<26x32x2048xf32> to vector<22x32x2048xf32>
    %slice3A_58 = vector.extract_strided_slice %reshape3A {offsets = [0, 0, 0], sizes = [22, 32, 2048], strides = [1, 1, 1]} : vector<26x32x2048xf32> to vector<22x32x2048xf32>
    %mul3A_59 = arith.mulf %slice3A_57, %slice3A_58 : vector<22x32x2048xf32>
    %reduce_sum3A_60 = arith.constant dense<0.000000e+00> : vector<22x2048xf32>
    %reduce_sum3A_61 = vector.multi_reduction <add>, %mul3A_59, %reduce_sum3A_60 [1] : vector<22x32x2048xf32> to vector<22x2048xf32>
    %slice3A_62 = vector.extract_strided_slice %reshape3A {offsets = [5, 0, 0], sizes = [21, 32, 2048], strides = [1, 1, 1]} : vector<26x32x2048xf32> to vector<21x32x2048xf32>
    %slice3A_63 = vector.extract_strided_slice %reshape3A {offsets = [0, 0, 0], sizes = [21, 32, 2048], strides = [1, 1, 1]} : vector<26x32x2048xf32> to vector<21x32x2048xf32>
    %mul3A_64 = arith.mulf %slice3A_62, %slice3A_63 : vector<21x32x2048xf32>
    %reduce_sum3A_65 = arith.constant dense<0.000000e+00> : vector<21x2048xf32>
    %reduce_sum3A_66 = vector.multi_reduction <add>, %mul3A_64, %reduce_sum3A_65 [1] : vector<21x32x2048xf32> to vector<21x2048xf32>
    %slice3A_67 = vector.extract_strided_slice %reshape3A {offsets = [6, 0, 0], sizes = [20, 32, 2048], strides = [1, 1, 1]} : vector<26x32x2048xf32> to vector<20x32x2048xf32>
    %slice3A_68 = vector.extract_strided_slice %reshape3A {offsets = [0, 0, 0], sizes = [20, 32, 2048], strides = [1, 1, 1]} : vector<26x32x2048xf32> to vector<20x32x2048xf32>
    %mul3A_69 = arith.mulf %slice3A_67, %slice3A_68 : vector<20x32x2048xf32>
    %reduce_sum3A_70 = arith.constant dense<0.000000e+00> : vector<20x2048xf32>
    %reduce_sum3A_71 = vector.multi_reduction <add>, %mul3A_69, %reduce_sum3A_70 [1] : vector<20x32x2048xf32> to vector<20x2048xf32>
    %slice3A_72 = vector.extract_strided_slice %reshape3A {offsets = [7, 0, 0], sizes = [19, 32, 2048], strides = [1, 1, 1]} : vector<26x32x2048xf32> to vector<19x32x2048xf32>
    %slice3A_73 = vector.extract_strided_slice %reshape3A {offsets = [0, 0, 0], sizes = [19, 32, 2048], strides = [1, 1, 1]} : vector<26x32x2048xf32> to vector<19x32x2048xf32>
    %mul3A_74 = arith.mulf %slice3A_72, %slice3A_73 : vector<19x32x2048xf32>
    %reduce_sum3A_75 = arith.constant dense<0.000000e+00> : vector<19x2048xf32>
    %reduce_sum3A_76 = vector.multi_reduction <add>, %mul3A_74, %reduce_sum3A_75 [1] : vector<19x32x2048xf32> to vector<19x2048xf32>
    %slice3A_77 = vector.extract_strided_slice %reshape3A {offsets = [8, 0, 0], sizes = [18, 32, 2048], strides = [1, 1, 1]} : vector<26x32x2048xf32> to vector<18x32x2048xf32>
    %slice3A_78 = vector.extract_strided_slice %reshape3A {offsets = [0, 0, 0], sizes = [18, 32, 2048], strides = [1, 1, 1]} : vector<26x32x2048xf32> to vector<18x32x2048xf32>
    %mul3A_79 = arith.mulf %slice3A_77, %slice3A_78 : vector<18x32x2048xf32>
    %reduce_sum3A_80 = arith.constant dense<0.000000e+00> : vector<18x2048xf32>
    %reduce_sum3A_81 = vector.multi_reduction <add>, %mul3A_79, %reduce_sum3A_80 [1] : vector<18x32x2048xf32> to vector<18x2048xf32>
    %slice3A_82 = vector.extract_strided_slice %reshape3A {offsets = [9, 0, 0], sizes = [17, 32, 2048], strides = [1, 1, 1]} : vector<26x32x2048xf32> to vector<17x32x2048xf32>
    %slice3A_83 = vector.extract_strided_slice %reshape3A {offsets = [0, 0, 0], sizes = [17, 32, 2048], strides = [1, 1, 1]} : vector<26x32x2048xf32> to vector<17x32x2048xf32>
    %mul3A_84 = arith.mulf %slice3A_82, %slice3A_83 : vector<17x32x2048xf32>
    %reduce_sum3A_85 = arith.constant dense<0.000000e+00> : vector<17x2048xf32>
    %reduce_sum3A_86 = vector.multi_reduction <add>, %mul3A_84, %reduce_sum3A_85 [1] : vector<17x32x2048xf32> to vector<17x2048xf32>
    %slice3A_87 = vector.extract_strided_slice %reshape3A {offsets = [10, 0, 0], sizes = [16, 32, 2048], strides = [1, 1, 1]} : vector<26x32x2048xf32> to vector<16x32x2048xf32>
    %slice3A_88 = vector.extract_strided_slice %reshape3A {offsets = [0, 0, 0], sizes = [16, 32, 2048], strides = [1, 1, 1]} : vector<26x32x2048xf32> to vector<16x32x2048xf32>
    %mul3A_89 = arith.mulf %slice3A_87, %slice3A_88 : vector<16x32x2048xf32>
    %reduce_sum3A_90 = arith.constant dense<0.000000e+00> : vector<16x2048xf32>
    %reduce_sum3A_91 = vector.multi_reduction <add>, %mul3A_89, %reduce_sum3A_90 [1] : vector<16x32x2048xf32> to vector<16x2048xf32>
    %slice3A_92 = vector.extract_strided_slice %reshape3A {offsets = [11, 0, 0], sizes = [15, 32, 2048], strides = [1, 1, 1]} : vector<26x32x2048xf32> to vector<15x32x2048xf32>
    %slice3A_93 = vector.extract_strided_slice %reshape3A {offsets = [0, 0, 0], sizes = [15, 32, 2048], strides = [1, 1, 1]} : vector<26x32x2048xf32> to vector<15x32x2048xf32>
    %mul3A_94 = arith.mulf %slice3A_92, %slice3A_93 : vector<15x32x2048xf32>
    %reduce_sum3A_95 = arith.constant dense<0.000000e+00> : vector<15x2048xf32>
    %reduce_sum3A_96 = vector.multi_reduction <add>, %mul3A_94, %reduce_sum3A_95 [1] : vector<15x32x2048xf32> to vector<15x2048xf32>
    %slice3A_97 = vector.extract_strided_slice %reshape3A {offsets = [12, 0, 0], sizes = [14, 32, 2048], strides = [1, 1, 1]} : vector<26x32x2048xf32> to vector<14x32x2048xf32>
    %slice3A_98 = vector.extract_strided_slice %reshape3A {offsets = [0, 0, 0], sizes = [14, 32, 2048], strides = [1, 1, 1]} : vector<26x32x2048xf32> to vector<14x32x2048xf32>
    %mul3A_99 = arith.mulf %slice3A_97, %slice3A_98 : vector<14x32x2048xf32>
    %reduce_sum3A_100 = arith.constant dense<0.000000e+00> : vector<14x2048xf32>
    %reduce_sum3A_101 = vector.multi_reduction <add>, %mul3A_99, %reduce_sum3A_100 [1] : vector<14x32x2048xf32> to vector<14x2048xf32>
    %slice3A_102 = vector.extract_strided_slice %reshape3A {offsets = [13, 0, 0], sizes = [13, 32, 2048], strides = [1, 1, 1]} : vector<26x32x2048xf32> to vector<13x32x2048xf32>
    %slice3A_103 = vector.extract_strided_slice %reshape3A {offsets = [0, 0, 0], sizes = [13, 32, 2048], strides = [1, 1, 1]} : vector<26x32x2048xf32> to vector<13x32x2048xf32>
    %mul3A_104 = arith.mulf %slice3A_102, %slice3A_103 : vector<13x32x2048xf32>
    %reduce_sum3A_105 = arith.constant dense<0.000000e+00> : vector<13x2048xf32>
    %reduce_sum3A_106 = vector.multi_reduction <add>, %mul3A_104, %reduce_sum3A_105 [1] : vector<13x32x2048xf32> to vector<13x2048xf32>
    %slice3A_107 = vector.extract_strided_slice %reshape3A {offsets = [14, 0, 0], sizes = [12, 32, 2048], strides = [1, 1, 1]} : vector<26x32x2048xf32> to vector<12x32x2048xf32>
    %slice3A_108 = vector.extract_strided_slice %reshape3A {offsets = [0, 0, 0], sizes = [12, 32, 2048], strides = [1, 1, 1]} : vector<26x32x2048xf32> to vector<12x32x2048xf32>
    %mul3A_109 = arith.mulf %slice3A_107, %slice3A_108 : vector<12x32x2048xf32>
    %reduce_sum3A_110 = arith.constant dense<0.000000e+00> : vector<12x2048xf32>
    %reduce_sum3A_111 = vector.multi_reduction <add>, %mul3A_109, %reduce_sum3A_110 [1] : vector<12x32x2048xf32> to vector<12x2048xf32>
    %slice3A_112 = vector.extract_strided_slice %reshape3A {offsets = [15, 0, 0], sizes = [11, 32, 2048], strides = [1, 1, 1]} : vector<26x32x2048xf32> to vector<11x32x2048xf32>
    %slice3A_113 = vector.extract_strided_slice %reshape3A {offsets = [0, 0, 0], sizes = [11, 32, 2048], strides = [1, 1, 1]} : vector<26x32x2048xf32> to vector<11x32x2048xf32>
    %mul3A_114 = arith.mulf %slice3A_112, %slice3A_113 : vector<11x32x2048xf32>
    %reduce_sum3A_115 = arith.constant dense<0.000000e+00> : vector<11x2048xf32>
    %reduce_sum3A_116 = vector.multi_reduction <add>, %mul3A_114, %reduce_sum3A_115 [1] : vector<11x32x2048xf32> to vector<11x2048xf32>
    %slice3A_117 = vector.extract_strided_slice %reshape3A {offsets = [16, 0, 0], sizes = [10, 32, 2048], strides = [1, 1, 1]} : vector<26x32x2048xf32> to vector<10x32x2048xf32>
    %slice3A_118 = vector.extract_strided_slice %reshape3A {offsets = [0, 0, 0], sizes = [10, 32, 2048], strides = [1, 1, 1]} : vector<26x32x2048xf32> to vector<10x32x2048xf32>
    %mul3A_119 = arith.mulf %slice3A_117, %slice3A_118 : vector<10x32x2048xf32>
    %reduce_sum3A_120 = arith.constant dense<0.000000e+00> : vector<10x2048xf32>
    %reduce_sum3A_121 = vector.multi_reduction <add>, %mul3A_119, %reduce_sum3A_120 [1] : vector<10x32x2048xf32> to vector<10x2048xf32>
    %slice3A_122 = vector.extract_strided_slice %reshape3A {offsets = [17, 0, 0], sizes = [9, 32, 2048], strides = [1, 1, 1]} : vector<26x32x2048xf32> to vector<9x32x2048xf32>
    %slice3A_123 = vector.extract_strided_slice %reshape3A {offsets = [0, 0, 0], sizes = [9, 32, 2048], strides = [1, 1, 1]} : vector<26x32x2048xf32> to vector<9x32x2048xf32>
    %mul3A_124 = arith.mulf %slice3A_122, %slice3A_123 : vector<9x32x2048xf32>
    %reduce_sum3A_125 = arith.constant dense<0.000000e+00> : vector<9x2048xf32>
    %reduce_sum3A_126 = vector.multi_reduction <add>, %mul3A_124, %reduce_sum3A_125 [1] : vector<9x32x2048xf32> to vector<9x2048xf32>
    %slice3A_127 = vector.extract_strided_slice %reshape3A {offsets = [18, 0, 0], sizes = [8, 32, 2048], strides = [1, 1, 1]} : vector<26x32x2048xf32> to vector<8x32x2048xf32>
    %slice3A_128 = vector.extract_strided_slice %reshape3A {offsets = [0, 0, 0], sizes = [8, 32, 2048], strides = [1, 1, 1]} : vector<26x32x2048xf32> to vector<8x32x2048xf32>
    %mul3A_129 = arith.mulf %slice3A_127, %slice3A_128 : vector<8x32x2048xf32>
    %reduce_sum3A_130 = arith.constant dense<0.000000e+00> : vector<8x2048xf32>
    %reduce_sum3A_131 = vector.multi_reduction <add>, %mul3A_129, %reduce_sum3A_130 [1] : vector<8x32x2048xf32> to vector<8x2048xf32>
    %slice3A_132 = vector.extract_strided_slice %reshape3A {offsets = [19, 0, 0], sizes = [7, 32, 2048], strides = [1, 1, 1]} : vector<26x32x2048xf32> to vector<7x32x2048xf32>
    %slice3A_133 = vector.extract_strided_slice %reshape3A {offsets = [0, 0, 0], sizes = [7, 32, 2048], strides = [1, 1, 1]} : vector<26x32x2048xf32> to vector<7x32x2048xf32>
    %mul3A_134 = arith.mulf %slice3A_132, %slice3A_133 : vector<7x32x2048xf32>
    %reduce_sum3A_135 = arith.constant dense<0.000000e+00> : vector<7x2048xf32>
    %reduce_sum3A_136 = vector.multi_reduction <add>, %mul3A_134, %reduce_sum3A_135 [1] : vector<7x32x2048xf32> to vector<7x2048xf32>
    %slice3A_137 = vector.extract_strided_slice %reshape3A {offsets = [20, 0, 0], sizes = [6, 32, 2048], strides = [1, 1, 1]} : vector<26x32x2048xf32> to vector<6x32x2048xf32>
    %slice3A_138 = vector.extract_strided_slice %reshape3A {offsets = [0, 0, 0], sizes = [6, 32, 2048], strides = [1, 1, 1]} : vector<26x32x2048xf32> to vector<6x32x2048xf32>
    %mul3A_139 = arith.mulf %slice3A_137, %slice3A_138 : vector<6x32x2048xf32>
    %reduce_sum3A_140 = arith.constant dense<0.000000e+00> : vector<6x2048xf32>
    %reduce_sum3A_141 = vector.multi_reduction <add>, %mul3A_139, %reduce_sum3A_140 [1] : vector<6x32x2048xf32> to vector<6x2048xf32>
    %slice3A_142 = vector.extract_strided_slice %reshape3A {offsets = [21, 0, 0], sizes = [5, 32, 2048], strides = [1, 1, 1]} : vector<26x32x2048xf32> to vector<5x32x2048xf32>
    %slice3A_143 = vector.extract_strided_slice %reshape3A {offsets = [0, 0, 0], sizes = [5, 32, 2048], strides = [1, 1, 1]} : vector<26x32x2048xf32> to vector<5x32x2048xf32>
    %mul3A_144 = arith.mulf %slice3A_142, %slice3A_143 : vector<5x32x2048xf32>
    %reduce_sum3A_145 = arith.constant dense<0.000000e+00> : vector<5x2048xf32>
    %reduce_sum3A_146 = vector.multi_reduction <add>, %mul3A_144, %reduce_sum3A_145 [1] : vector<5x32x2048xf32> to vector<5x2048xf32>
    %slice3A_147 = vector.extract_strided_slice %reshape3A {offsets = [22, 0, 0], sizes = [4, 32, 2048], strides = [1, 1, 1]} : vector<26x32x2048xf32> to vector<4x32x2048xf32>
    %slice3A_148 = vector.extract_strided_slice %reshape3A {offsets = [0, 0, 0], sizes = [4, 32, 2048], strides = [1, 1, 1]} : vector<26x32x2048xf32> to vector<4x32x2048xf32>
    %mul3A_149 = arith.mulf %slice3A_147, %slice3A_148 : vector<4x32x2048xf32>
    %reduce_sum3A_150 = arith.constant dense<0.000000e+00> : vector<4x2048xf32>
    %reduce_sum3A_151 = vector.multi_reduction <add>, %mul3A_149, %reduce_sum3A_150 [1] : vector<4x32x2048xf32> to vector<4x2048xf32>
    %slice3A_152 = vector.extract_strided_slice %reshape3A {offsets = [23, 0, 0], sizes = [3, 32, 2048], strides = [1, 1, 1]} : vector<26x32x2048xf32> to vector<3x32x2048xf32>
    %slice3A_153 = vector.extract_strided_slice %reshape3A {offsets = [0, 0, 0], sizes = [3, 32, 2048], strides = [1, 1, 1]} : vector<26x32x2048xf32> to vector<3x32x2048xf32>
    %mul3A_154 = arith.mulf %slice3A_152, %slice3A_153 : vector<3x32x2048xf32>
    %reduce_sum3A_155 = arith.constant dense<0.000000e+00> : vector<3x2048xf32>
    %reduce_sum3A_156 = vector.multi_reduction <add>, %mul3A_154, %reduce_sum3A_155 [1] : vector<3x32x2048xf32> to vector<3x2048xf32>
    %slice3A_157 = vector.extract_strided_slice %reshape3A {offsets = [24, 0, 0], sizes = [2, 32, 2048], strides = [1, 1, 1]} : vector<26x32x2048xf32> to vector<2x32x2048xf32>
    %slice3A_158 = vector.extract_strided_slice %reshape3A {offsets = [0, 0, 0], sizes = [2, 32, 2048], strides = [1, 1, 1]} : vector<26x32x2048xf32> to vector<2x32x2048xf32>
    %mul3A_159 = arith.mulf %slice3A_157, %slice3A_158 : vector<2x32x2048xf32>
    %reduce_sum3A_160 = arith.constant dense<0.000000e+00> : vector<2x2048xf32>
    %reduce_sum3A_161 = vector.multi_reduction <add>, %mul3A_159, %reduce_sum3A_160 [1] : vector<2x32x2048xf32> to vector<2x2048xf32>
    %slice3A_162 = vector.extract_strided_slice %reshape3A {offsets = [25, 0, 0], sizes = [1, 32, 2048], strides = [1, 1, 1]} : vector<26x32x2048xf32> to vector<1x32x2048xf32>
    %slice3A_163 = vector.extract_strided_slice %reshape3A {offsets = [0, 0, 0], sizes = [1, 32, 2048], strides = [1, 1, 1]} : vector<26x32x2048xf32> to vector<1x32x2048xf32>
    %mul3A_164 = arith.mulf %slice3A_162, %slice3A_163 : vector<1x32x2048xf32>
    %reduce_sum3A_165 = arith.constant dense<0.000000e+00> : vector<1x2048xf32>
    %reduce_sum3A_166 = vector.multi_reduction <add>, %mul3A_164, %reduce_sum3A_165 [1] : vector<1x32x2048xf32> to vector<1x2048xf32>
    %concatenate3A = tpu.concatenate %max3A_37, %reduce_sum3A_42, %reduce_sum3A_46, %reduce_sum3A_51, %reduce_sum3A_56, %reduce_sum3A_61, %reduce_sum3A_66, %reduce_sum3A_71, %reduce_sum3A_76, %reduce_sum3A_81, %reduce_sum3A_86, %reduce_sum3A_91, %reduce_sum3A_96, %reduce_sum3A_101, %reduce_sum3A_106, %reduce_sum3A_111, %reduce_sum3A_116, %reduce_sum3A_121, %reduce_sum3A_126, %reduce_sum3A_131, %reduce_sum3A_136, %reduce_sum3A_141, %reduce_sum3A_146, %reduce_sum3A_151, %reduce_sum3A_156, %reduce_sum3A_161, %reduce_sum3A_166 in 0 : vector<32x2048xf32>, vector<26x2048xf32>, vector<25x2048xf32>, vector<24x2048xf32>, vector<23x2048xf32>, vector<22x2048xf32>, vector<21x2048xf32>, vector<20x2048xf32>, vector<19x2048xf32>, vector<18x2048xf32>, vector<17x2048xf32>, vector<16x2048xf32>, vector<15x2048xf32>, vector<14x2048xf32>, vector<13x2048xf32>, vector<12x2048xf32>, vector<11x2048xf32>, vector<10x2048xf32>, vector<9x2048xf32>, vector<8x2048xf32>, vector<7x2048xf32>, vector<6x2048xf32>, vector<5x2048xf32>, vector<4x2048xf32>, vector<3x2048xf32>, vector<2x2048xf32>, vector<1x2048xf32> -> vector<383x2048xf32>
    %get3A_167 = arith.constant 0 : index
    %get3A_168 = arith.constant 0 : index
    %get3A_169 = vector.load %arg9[%get3A_167, %get3A_168] : memref<1024x383xf32, #tpu.memory_space<vmem>>, vector<1024x383xf32>
    %dot_general3A_170 = arith.constant dense<0.000000e+00> : vector<1024x2048xf32>
    %dot_general3A_171 = tpu.matmul %get3A_169, %concatenate3A, %dot_general3A_170 {dimension_numbers = #tpu.dot_dimension_numbers<[1], [0], [0], [1], [0, 0, 1, 1], [], []>, transpose_lhs_hint = false} : vector<1024x383xf32>, vector<383x2048xf32>, vector<1024x2048xf32> -> vector<1024x2048xf32>
    %get3A_172 = arith.constant 0 : index
    %get3A_173 = arith.constant 0 : index
    %get3A_174 = vector.load %arg10[%get3A_172, %get3A_173] : memref<1024x1xf32, #tpu.memory_space<vmem>>, vector<1024x1xf32>
    %add3A_175 = vector.broadcast %get3A_174 : vector<1024x1xf32> to vector<1024x2048xf32>
    %add3A_176 = arith.addf %dot_general3A_171, %add3A_175 : vector<1024x2048xf32>
    %max3A_177 = arith.constant 0.000000e+00 : f32
    %max3A_178 = vector.broadcast %max3A_177 : f32 to vector<1024x2048xf32>
    %max3A_179 = arith.maximumf %add3A_176, %max3A_178 : vector<1024x2048xf32>
    %get3A_180 = arith.constant 0 : index
    %get3A_181 = arith.constant 0 : index
    %get3A_182 = vector.load %arg11[%get3A_180, %get3A_181] : memref<1024x1024xf32, #tpu.memory_space<vmem>>, vector<1024x1024xf32>
    %dot_general3A_183 = arith.constant dense<0.000000e+00> : vector<1024x2048xf32>
    %dot_general3A_184 = tpu.matmul %get3A_182, %max3A_179, %dot_general3A_183 {dimension_numbers = #tpu.dot_dimension_numbers<[1], [0], [0], [1], [0, 0, 1, 1], [], []>, transpose_lhs_hint = false} : vector<1024x1024xf32>, vector<1024x2048xf32>, vector<1024x2048xf32> -> vector<1024x2048xf32>
    %get3A_185 = arith.constant 0 : index
    %get3A_186 = arith.constant 0 : index
    %get3A_187 = vector.load %arg12[%get3A_185, %get3A_186] : memref<1024x1xf32, #tpu.memory_space<vmem>>, vector<1024x1xf32>
    %add3A_188 = vector.broadcast %get3A_187 : vector<1024x1xf32> to vector<1024x2048xf32>
    %add3A_189 = arith.addf %dot_general3A_184, %add3A_188 : vector<1024x2048xf32>
    %max3A_190 = arith.constant 0.000000e+00 : f32
    %max3A_191 = vector.broadcast %max3A_190 : f32 to vector<1024x2048xf32>
    %max3A_192 = arith.maximumf %add3A_189, %max3A_191 : vector<1024x2048xf32>
    %get3A_193 = arith.constant 0 : index
    %get3A_194 = arith.constant 0 : index
    %get3A_195 = vector.load %arg13[%get3A_193, %get3A_194] : memref<512x1024xf32, #tpu.memory_space<vmem>>, vector<512x1024xf32>
    %dot_general3A_196 = arith.constant dense<0.000000e+00> : vector<512x2048xf32>
    %dot_general3A_197 = tpu.matmul %get3A_195, %max3A_192, %dot_general3A_196 {dimension_numbers = #tpu.dot_dimension_numbers<[1], [0], [0], [1], [0, 0, 1, 1], [], []>, transpose_lhs_hint = false} : vector<512x1024xf32>, vector<1024x2048xf32>, vector<512x2048xf32> -> vector<512x2048xf32>
    %get3A_198 = arith.constant 0 : index
    %get3A_199 = arith.constant 0 : index
    %get3A_200 = vector.load %arg14[%get3A_198, %get3A_199] : memref<512x1xf32, #tpu.memory_space<vmem>>, vector<512x1xf32>
    %add3A_201 = vector.broadcast %get3A_200 : vector<512x1xf32> to vector<512x2048xf32>
    %add3A_202 = arith.addf %dot_general3A_197, %add3A_201 : vector<512x2048xf32>
    %max3A_203 = arith.constant 0.000000e+00 : f32
    %max3A_204 = vector.broadcast %max3A_203 : f32 to vector<512x2048xf32>
    %max3A_205 = arith.maximumf %add3A_202, %max3A_204 : vector<512x2048xf32>
    %get3A_206 = arith.constant 0 : index
    %get3A_207 = arith.constant 0 : index
    %get3A_208 = vector.load %arg15[%get3A_206, %get3A_207] : memref<256x512xf32, #tpu.memory_space<vmem>>, vector<256x512xf32>
    %dot_general3A_209 = arith.constant dense<0.000000e+00> : vector<256x2048xf32>
    %dot_general3A_210 = tpu.matmul %get3A_208, %max3A_205, %dot_general3A_209 {dimension_numbers = #tpu.dot_dimension_numbers<[1], [0], [0], [1], [0, 0, 1, 1], [], []>, transpose_lhs_hint = false} : vector<256x512xf32>, vector<512x2048xf32>, vector<256x2048xf32> -> vector<256x2048xf32>
    %get3A_211 = arith.constant 0 : index
    %get3A_212 = arith.constant 0 : index
    %get3A_213 = vector.load %arg16[%get3A_211, %get3A_212] : memref<256x1xf32, #tpu.memory_space<vmem>>, vector<256x1xf32>
    %add3A_214 = vector.broadcast %get3A_213 : vector<256x1xf32> to vector<256x2048xf32>
    %add3A_215 = arith.addf %dot_general3A_210, %add3A_214 : vector<256x2048xf32>
    %max3A_216 = arith.constant 0.000000e+00 : f32
    %max3A_217 = vector.broadcast %max3A_216 : f32 to vector<256x2048xf32>
    %max3A_218 = arith.maximumf %add3A_215, %max3A_217 : vector<256x2048xf32>
    %get3A_219 = arith.constant 0 : index
    %get3A_220 = arith.constant 0 : index
    %get3A_221 = vector.load %arg17[%get3A_219, %get3A_220] : memref<1x256xf32, #tpu.memory_space<vmem>>, vector<1x256xf32>
    %dot_general3A_222 = arith.constant dense<0.000000e+00> : vector<1x2048xf32>
    %dot_general3A_223 = tpu.matmul %get3A_221, %max3A_218, %dot_general3A_222 {dimension_numbers = #tpu.dot_dimension_numbers<[1], [0], [0], [1], [0, 0, 1, 1], [], []>, transpose_lhs_hint = false} : vector<1x256xf32>, vector<256x2048xf32>, vector<1x2048xf32> -> vector<1x2048xf32>
    %get3A_224 = arith.constant 0 : index
    %get3A_225 = arith.constant 0 : index
    %get3A_226 = vector.load %arg18[%get3A_224, %get3A_225] : memref<1x1xf32, #tpu.memory_space<vmem>>, vector<1x1xf32>
    %add3A_227 = vector.broadcast %get3A_226 : vector<1x1xf32> to vector<1x2048xf32>
    %add3A_228 = arith.addf %dot_general3A_223, %add3A_227 : vector<1x2048xf32>
    %logistic3A = arith.negf %add3A_228 : vector<1x2048xf32>
    %logistic3A_229 = math.exp %logistic3A : vector<1x2048xf32>
    %logistic3A_230 = arith.constant 1.000000e+00 : f32
    %logistic3A_231 = vector.broadcast %logistic3A_230 : f32 to vector<1x2048xf32>
    %logistic3A_232 = arith.addf %logistic3A_231, %logistic3A_229 : vector<1x2048xf32>
    %logistic3A_233 = arith.divf %logistic3A_231, %logistic3A_232 : vector<1x2048xf32>
    %swap3A = arith.constant 0 : index
    %swap3A_234 = arith.constant 0 : index
    %swap3A_235 = vector.load %arg19[%swap3A, %swap3A_234] : memref<1x2048xf32, #tpu.memory_space<vmem>>, vector<1x2048xf32>
    tpu.vector_store %arg19[%swap3A, %swap3A_234], %logistic3A_233 {strides = array<i32>} : memref<1x2048xf32, #tpu.memory_space<vmem>>, vector<1x2048xf32>,
    return
  }
  func.func @transform_0(%arg0: i32) -> (i32, i32) {
    %c0_i32 = arith.constant 0 : i32
    %c0_i32_0 = arith.constant 0 : i32
    return %c0_i32, %arg0 : i32, i32
  }
  func.func @transform_1(%arg0: i32) -> (i32, i32) {
    %c0_i32 = arith.constant 0 : i32
    %c0_i32_0 = arith.constant 0 : i32
    return %arg0, %c0_i32 : i32, i32
  }
  func.func @transform_2(%arg0: i32) -> (i32, i32) {
    %c0_i32 = arith.constant 0 : i32
    %c0_i32_0 = arith.constant 0 : i32
    %c0_i32_1 = arith.constant 0 : i32
    return %c0_i32, %c0_i32_0 : i32, i32
  }
  func.func @transform_3(%arg0: i32) -> (i32, i32) {
    %c0_i32 = arith.constant 0 : i32
    %c0_i32_0 = arith.constant 0 : i32
    %c0_i32_1 = arith.constant 0 : i32
    return %c0_i32, %c0_i32_0 : i32, i32
  }
  func.func @transform_4(%arg0: i32) -> (i32, i32) {
    %c0_i32 = arith.constant 0 : i32
    %c0_i32_0 = arith.constant 0 : i32
    %c0_i32_1 = arith.constant 0 : i32
    return %c0_i32, %c0_i32_0 : i32, i32
  }
  func.func @transform_5(%arg0: i32) -> (i32, i32) {
    %c0_i32 = arith.constant 0 : i32
    %c0_i32_0 = arith.constant 0 : i32
    %c0_i32_1 = arith.constant 0 : i32
    return %c0_i32, %c0_i32_0 : i32, i32
  }
  func.func @transform_6(%arg0: i32) -> (i32, i32) {
    %c0_i32 = arith.constant 0 : i32
    %c0_i32_0 = arith.constant 0 : i32
    %c0_i32_1 = arith.constant 0 : i32
    return %c0_i32, %c0_i32_0 : i32, i32
  }
  func.func @transform_7(%arg0: i32) -> (i32, i32) {
    %c0_i32 = arith.constant 0 : i32
    %c0_i32_0 = arith.constant 0 : i32
    %c0_i32_1 = arith.constant 0 : i32
    return %c0_i32, %c0_i32_0 : i32, i32
  }
  func.func @transform_8(%arg0: i32) -> (i32, i32) {
    %c0_i32 = arith.constant 0 : i32
    %c0_i32_0 = arith.constant 0 : i32
    %c0_i32_1 = arith.constant 0 : i32
    return %c0_i32, %c0_i32_0 : i32, i32
  }
  func.func @transform_9(%arg0: i32) -> (i32, i32) {
    %c0_i32 = arith.constant 0 : i32
    %c0_i32_0 = arith.constant 0 : i32
    %c0_i32_1 = arith.constant 0 : i32
    return %c0_i32, %c0_i32_0 : i32, i32
  }
  func.func @transform_10(%arg0: i32) -> (i32, i32) {
    %c0_i32 = arith.constant 0 : i32
    %c0_i32_0 = arith.constant 0 : i32
    %c0_i32_1 = arith.constant 0 : i32
    return %c0_i32, %c0_i32_0 : i32, i32
  }
  func.func @transform_11(%arg0: i32) -> (i32, i32) {
    %c0_i32 = arith.constant 0 : i32
    %c0_i32_0 = arith.constant 0 : i32
    %c0_i32_1 = arith.constant 0 : i32
    return %c0_i32, %c0_i32_0 : i32, i32
  }
  func.func @transform_12(%arg0: i32) -> (i32, i32) {
    %c0_i32 = arith.constant 0 : i32
    %c0_i32_0 = arith.constant 0 : i32
    %c0_i32_1 = arith.constant 0 : i32
    return %c0_i32, %c0_i32_0 : i32, i32
  }
  func.func @transform_13(%arg0: i32) -> (i32, i32) {
    %c0_i32 = arith.constant 0 : i32
    %c0_i32_0 = arith.constant 0 : i32
    %c0_i32_1 = arith.constant 0 : i32
    return %c0_i32, %c0_i32_0 : i32, i32
  }
  func.func @transform_14(%arg0: i32) -> (i32, i32) {
    %c0_i32 = arith.constant 0 : i32
    %c0_i32_0 = arith.constant 0 : i32
    %c0_i32_1 = arith.constant 0 : i32
    return %c0_i32, %c0_i32_0 : i32, i32
  }
  func.func @transform_15(%arg0: i32) -> (i32, i32) {
    %c0_i32 = arith.constant 0 : i32
    %c0_i32_0 = arith.constant 0 : i32
    %c0_i32_1 = arith.constant 0 : i32
    return %c0_i32, %c0_i32_0 : i32, i32
  }
  func.func @transform_16(%arg0: i32) -> (i32, i32) {
    %c0_i32 = arith.constant 0 : i32
    %c0_i32_0 = arith.constant 0 : i32
    %c0_i32_1 = arith.constant 0 : i32
    return %c0_i32, %c0_i32_0 : i32, i32
  }
  func.func @transform_17(%arg0: i32) -> (i32, i32) {
    %c0_i32 = arith.constant 0 : i32
    %c0_i32_0 = arith.constant 0 : i32
    %c0_i32_1 = arith.constant 0 : i32
    return %c0_i32, %c0_i32_0 : i32, i32
  }
  func.func @transform_18(%arg0: i32) -> (i32, i32) {
    %c0_i32 = arith.constant 0 : i32
    %c0_i32_0 = arith.constant 0 : i32
    return %c0_i32, %arg0 : i32, i32
  }
}

</mosaic_0001>

<sc_bundles>
// kernel: kernel.5.cloned.1.call-start
scs
__scs_entry_jumppad:
0x0: {  	(pc) =	sbr.rel $0x88, $3  }
0x1: {  	(tag) =	ssettag $0x0;
	lr =	simm.s32 $0x1  }
0x2: {  	[smem:$0x3F8E] =	sst lr;
	_ =	strace $0xD0000000  }
0x3: {  	_ = 	snop  }
0x4: {  	_ = 	snop  }
0x5: {  	_ = 	snop  }
0x6: {  	_ = 	snop  }
0x7: {  	_ = 	snop  }
__scs_overlays_trampoline_lowered:
0x8: {  	[smem:$0x3F9D] =	sst s0  }
0x9: {  	[smem:$0x3F9E] =	sst s1  }
0xa: {  	[smem:$0x3F9F] =	sst s2  }
0xb: {  	[smem:$0x3FA0] =	sst s3  }
0xc: {  	[smem:$0x3FA1] =	sst s4  }
0xd: {  	[smem:$0x3FA2] =	sst s5  }
0xe: {  	[smem:$0x3FA3] =	sst s6  }
0xf: {  	[smem:$0x3FA4] =	sst s7  }
0x10: {  	[smem:$0x3FA5] =	sst s8  }
0x11: {  	[smem:$0x3FA6] =	sst s9;
	s0 =	simm.s32 @!p0 $0x0  }
0x12: {  	s1 =	sld [smem:$0x3F8C];
	s0 =	simm.s32 @p0 $0x1  }
0x13: {  	[smem:$0x3FA7] =	sst s0;
	s0 =	simm.s32 @!p1 $0x0  }
0x14: {  	s2 =	sld [smem:$0x3F8B];
	s0 =	simm.s32 @p1 $0x1  }
0x15: {  	[smem:$0x3FA8] =	sst s0;
	s0 =	simm.s32 @!p2 $0x0  }
0x16: {  	s3 =	sld [smem:$0x3FDB];
	s0 =	simm.s32 @p2 $0x1  }
0x17: {  	s4 =	simm.s32 $0x1BF5;
	[smem:$0x3FAA] =	sst s0  }
0x18: {  	s0 =	sld [smem:$0x3F8D];
	_ =	swait.ge [sflag:s4], $0x0  }
0x19: {  	s7 =	sld [smem:$0x3F8E]  }
0x1a: {  	s8 =	sadd.s32 $0xFFFFE003, lr  }
0x1b: {  	s9 =	sadd.s32 $0xFFFFFEF7, lr;
	s5 =	simm.s32 $0xFFFFFFFF;
	p2 =	slt.u32 s8, $0xFFFFF086  }
0x1c: {  	p1 =	slt.u32 s9, $0xF7A;
	s5 =	simm.s32 @!p2 $0x0  }
0x1d: {  	s5 =	simm.s32 @p1 $0x1;
	p0 =	seq.s32 s7, s2  }
0x1e: {  	s7 =	smul.u32 @!p0 $0xF7A, s2;
	p2 =	seq.s32 @!p0 s5, $0x0  }
0x1f: {  	s9 =	smul.u32 $0xF7A, s1;
	s8 =	simm.s32 @!p0 $0x1BF5;
	p2 =	por !p2, p0  }
0x20: {  	[sflag:s8] =	ssyncset.s32 @!p0 $0xFFFFF086;
	s6 =	sadd.s32 @!p0 s3, s7;
	s7 =	simm.s32 @!p0 $0x108  }
0x21: {  	s3 =	sadd.s32 s3, s9;
	s6 =	sadd.s32 @!p0 $0x88, s6;
	s7 =	simm.s32 @p2 $0x1082  }
0x22: {  	[simem:s7], [sflag:s8] =	dma.local @!p0 [hbm:s6], $0xF7A  }
0x23: {  	s9 =	sor.u32 $0xD0000000, s2;
	s6 =	simm.s32 $0x108;
	_ =	swait.ge @!p0 [sflag:s8], $0x0  }
0x24: {  	s3 =	sadd.s32 $0x88, s3;
	s6 =	simm.s32 @!p1 $0x1082;
	[sflag:s4] =	ssyncset.s32 $0xFFFFF086  }
0x25: {  	[simem:s6], [sflag:s4] =	dma.local [hbm:s3], $0xF7A  }
0x26: {  	[smem:$0x3F8E] =	sst s1;
	(tag) =	ssettag s2;
	_ =	strace s9  }
0x27: {  	s1 =	sld [smem:$0x3F9E]  }
0x28: {  	s2 =	sld [smem:$0x3F9F]  }
0x29: {  	s4 =	sld [smem:$0x3FA1]  }
0x2a: {  	p0 =	seq.s32 s5, $0x0;
	s5 =	sld [smem:$0x3FA2]  }
0x2b: {  	s6 =	sld [smem:$0x3FA3]  }
0x2c: {  	s7 =	sld [smem:$0x3FA4]  }
0x2d: {  	s3 =	simm.s32 $0x108;
	s8 =	sld [smem:$0x3FA5]  }
0x2e: {  	s3 =	simm.s32 @!p0 $0x1082;
	s9 =	sld [smem:$0x3FA6]  }
0x2f: {  	lr =	sadd.s32 s0, s3;
	s0 =	sld [smem:$0x3F9D]  }
0x30: {  	s3 =	sld [smem:$0x3FA0]  }
0x31: {  	[smem:$0x3FA9] =	sst s10  }
0x32: {  	s10 =	sld [smem:$0x3FA7];
	_ =	sdelay $0x3  }
0x33: {  	p0 =	seq.s32 s10, $0x1;
	s10 =	sld [smem:$0x3FA9];
	_ =	sdelay $0x3  }
0x34: {  	[smem:$0x3FA9] =	sst s10  }
0x35: {  	s10 =	sld [smem:$0x3FA8];
	_ =	sdelay $0x3  }
0x36: {  	p1 =	seq.s32 s10, $0x1;
	s10 =	sld [smem:$0x3FA9];
	_ =	sdelay $0x3  }
0x37: {  	[smem:$0x3FA9] =	sst s10  }
0x38: {  	s10 =	sld [smem:$0x3FAA]  }
0x39: {  	_ = 	snop;
	(pc) =	sbr.ind lr, $3  }
0x3a: {  	_ = 	snop  }
0x3b: {  	_ = 	snop  }
0x3c: {  	p2 =	seq.s32 s10, $0x1;
	s10 =	sld [smem:$0x3FA9]  }
0x3d: {  	_ =	shalt  }
0x3e: {  	_ =	shalt  }
0x3f: {  	_ =	shalt  }
0x40: {  	_ =	shalt  }
0x41: {  	_ =	shalt  }
0x42: {  	_ =	shalt  }
0x43: {  	_ =	shalt  }
0x44: {  	_ =	shalt  }
0x45: {  	_ =	shalt  }
0x46: {  	_ =	shalt  }
0x47: {  	_ =	shalt  }
0x48: {  	_ =	shalt  }
0x49: {  	_ =	shalt  }
0x4a: {  	_ =	shalt  }
0x4b: {  	_ =	shalt  }
0x4c: {  	_ =	shalt  }
0x4d: {  	_ =	shalt  }
0x4e: {  	_ =	shalt  }
0x4f: {  	_ =	shalt  }
0x50: {  	_ =	shalt  }
0x51: {  	_ =	shalt  }
0x52: {  	_ =	shalt  }
0x53: {  	_ =	shalt  }
0x54: {  	_ =	shalt  }
0x55: {  	_ =	shalt  }
0x56: {  	_ =	shalt  }
0x57: {  	_ =	shalt  }
0x58: {  	_ =	shalt  }
0x59: {  	_ =	shalt  }
0x5a: {  	_ =	shalt  }
0x5b: {  	_ =	shalt  }
0x5c: {  	_ =	shalt  }
0x5d: {  	_ =	shalt  }
0x5e: {  	_ =	shalt  }
0x5f: {  	_ =	shalt  }
0x60: {  	_ =	shalt  }
0x61: {  	_ =	shalt  }
0x62: {  	_ =	shalt  }
0x63: {  	_ =	shalt  }
0x64: {  	_ =	shalt  }
0x65: {  	_ =	shalt  }
0x66: {  	_ =	shalt  }
0x67: {  	_ =	shalt  }
0x68: {  	_ =	shalt  }
0x69: {  	_ =	shalt  }
0x6a: {  	_ =	shalt  }
0x6b: {  	_ =	shalt  }
0x6c: {  	_ =	shalt  }
0x6d: {  	_ =	shalt  }
0x6e: {  	_ =	shalt  }
0x6f: {  	_ =	shalt  }
0x70: {  	_ =	shalt  }
0x71: {  	_ =	shalt  }
0x72: {  	_ =	shalt  }
0x73: {  	_ =	shalt  }
0x74: {  	_ =	shalt  }
0x75: {  	_ =	shalt  }
0x76: {  	_ =	shalt  }
0x77: {  	_ =	shalt  }
0x78: {  	_ =	shalt  }
0x79: {  	_ =	shalt  }
0x7a: {  	_ =	shalt  }
0x7b: {  	_ =	shalt  }
0x7c: {  	_ =	shalt  }
0x7d: {  	_ =	shalt  }
0x7e: {  	_ =	shalt  }
0x7f: {  	_ =	shalt  }
0x80: {  	_ =	shalt  }
0x81: {  	_ =	shalt  }
0x82: {  	_ =	shalt  }
0x83: {  	_ =	shalt  }
0x84: {  	_ =	shalt  }
0x85: {  	_ =	shalt  }
0x86: {  	_ =	shalt  }
0x87: {  	_ =	shalt  }
.Lfunc_end0:
.L_simem_size_0:
called_computation_lowered:
.L_overlay_start_0:
0x88: {  	s2 =	sld [smem:$0x3FD9]  }
0x89: {  	s3 =	sld [smem:$0x3FFE];
	_ =	sdelay $0x1  }
0x8a: {  	s1 =	srdreg.scid  }
0x8b: {  	s0 =	sand.u32 $0x1, s1  }
0x8c: {  	s16 =	sshll.u32 s0, $0xA;
	s2 =	sadd.s32 s3, s2  }
0x8d: {  	s2 =	sadd.s32 s2, s16  }
0x8e: {  	[smem:$0x3FB5] =	sst s2  }
0x8f: {  	_ = 	snop  }
0x90: {  	(tm) =	ssettm $0x1  }
0x91: {  	s17 =	sld [smem:$0x3FFB];
	_ =	sdelay $0x3  }
0x92: {  	_ =	strace s17  }
0x93: {  	s2 =	sld [smem:$0x3FFC];
	_ =	sdelay $0x3  }
0x94: {  	_ =	strace s2  }
0x95: {  	s2 =	sld [smem:$0x3FFD];
	_ =	sdelay $0x3  }
0x96: {  	_ =	strace s2  }
0x97: {  	_ =	strace $0x8FFFFFFF  }
0x98: {  	s18 =	sld [smem:$0x3FDB];
	_ =	sdelay $0x1  }
0x99: {  	s19 =	simm.s32 $_scs_section_size  }
0x9a: {  	s4 =	simm.s32 $_size__tile_overlayer_lowered;
	s5 =	simm.s32 $_tile_overlayer_lowered  }
0x9b: {  	s22 =	simm.s32 $0x1BFF;
	s21 =	sshll.u32 s5, $0x1;
	s2 =	sadd.s32 s19, s18  }
0x9c: {  	s6 =	simm.s32 $0x0;
	s20 =	sshll.u32 s4, $0x1;
	s4 =	sadd.s32 s21, s2  }
0x9d: {  	[timem:s6], [sflag:s22] =	dma.local [hbm:s4], s20  }
0x9e: {  	_ =	swait.ge [sflag:s22], s20  }
0x9f: {  	s3 =	ssub.s32 $0x0, s20;
	[sflag:s22] =	ssyncset.done $0x0  }
0xa0: {  	[sflag:s22] =	ssyncadd.s32 s3;
	_ =	sdelay $0x1  }
0xa1: {  	s23 =	simm.s32 $0x1B8B  }
0xa2: {  	_ =	swait.ge [sflag:s23], $0x1  }
0xa3: {  	[sflag:s23] =	ssyncset.done $0x0  }
0xa4: {  	s25 =	simm.s32 $0x1B8E;
	s24 =	sld [smem:$0x3FFE];
	[sflag:s23] =	ssyncadd.s32 $0xFFFFFFFF  }
0xa5: {  	s26 =	simm.s32 $execute0_lowered;
	[smem:$0x3FD2] =	sst s25  }
0xa6: {  	s4 =	sshll.u32 s26, $0x1;
	_ =	strace $0x80000046;
	[dreg:$0x1] =	wrdreg $0xFFFFFFFF  }
0xa7: {  	s28 =	simm.s32 $_size_execute0_lowered;
	s2 =	sadd.s32 s2, s4;
	[dreg:$0x0] =	wrdreg $0x0  }
0xa8: {  	s4 =	sshll.u32 s28, $0x1;
	[dreg:$0x2] =	wrdreg s2  }
0xa9: {  	[dreg:$0x3] =	wrdreg s4  }
0xaa: {  	[dreg:$0x4] =	wrdreg $0xC0  }
0xab: {  	_ =	task [dreg:s6], $0x5FFFF  }
0xac: {  	[dreg:$0x1] =	wrdreg $0xFFFFFFFF  }
0xad: {  	[dreg:$0x0] =	wrdreg $0x60  }
0xae: {  	[dreg:$0x2] =	wrdreg s24  }
0xaf: {  	[dreg:$0x3] =	wrdreg $0x9  }
0xb0: {  	_ =	task.clear_ibuf [dreg:s6], $0x4FFFF;
	_ =	strace $0x90000046  }
0xb1: {  	s29 =	simm.s32 $0x9;
	_ =	strace $0x80000048  }
0xb2: {  	_ =	swait.ge [sflag:s29], $0x1  }
0xb3: {  	[sflag:s29] =	ssyncadd.s32 $0xFFFFFFFF  }
0xb4: {  	_ =	strace $0x90000048  }
0xb5: {  	_ =	sfence  }
0xb6: {  	s30 =	sld [smem:$0x0];
	_ =	sdelay $0x2  }
0xb7: {  	s31 =	sshll.u32 s1, $0xD;
	s1 =	sshrl.u32 s1, $0x2  }
0xb8: {  	s3 =	sand.u32 $0x4000, s31;
	s1 =	sadd.s32 s1, s30  }
0xb9: {  	s0 =	sor.u32 s3, s0;
	s1 =	sshll.u32 s1, $0x11  }
0xba: {  	s0 =	sor.u32 s1, s0  }
0xbb: {  	s0 =	sadd.s32 $0x8F2B, s0  }
0xbc: {  	[sflag:s0] =	ssyncadd.remote.s32 $0x1  }
0xbd: {  	_ =	sfence.sel $0xFFFF  }
0xbe: {  	[dreg:$0x0] =	wrdreg $0xFFFFFFFF;
	(pc) =	sbr.abs _section_cstart, $3  }
0xbf: {  	[dreg:$0x1] =	wrdreg $0xFFFFFFFF  }
0xc0: {  	_ =	task.clear_ibuf [dreg:s6], $0x2FFFF;
	_ =	strace $0x9FFFFFFF  }
0xc1: {  	(tm) =	ssettm $0x7FFFFFFF  }
tec
execute0_lowered:
.L_overlay_start_1:
0x0: {  	(tag) =	ssettag $0x1  }
0x1: {  	s1 =	srdreg.scid;
	s0 =	stileid.u32  }
0x2: {  	s22 =	sand.u32 $0x1, s1;
	s26 =	sshll.u32 s0, $0x1  }
0x3: {  	s8 =	sor.u32 s22, s26  }
0x4: {  	s9 =	rddreg [dreg:$0x0];
	s23 =	smul.u32 $0x3400, s8  }
0x5: {  	s2 =	simm.s32 $0x0;
	s1 =	rddreg [dreg:$0x1]  }
0x6: {  	[smem:$0x7FF] =	sst s2;
	s21 =	sadd.s32 $0x9EE000, s9;
	s3 =	sshrl.u32 s23, $0x3  }
0x7: {  	_ =	strace $0x80000047;
	s4 =	sadd.s32 s21, s3;
	s3 =	simm.s32 $0x2  }
0x8: {  	[tilespmem:s2], [sflag:$0x2] =	stream.linear.gather [hbm4b:s4+s2], $0x680, $0x38;
	[tilespmem:$0xD680] =	vst v63  }
0x9: {  	_ =	swait.ge [sflag:s3], $0x680  }
0xa: {  	s6 =	simm.s32 $0x680;
	[sflag:s3] =	ssyncset.done $0x0  }
0xb: {  	s7 =	simm.s32 $0x1;
	s5 =	sadd.s32 $0x2E00, s9;
	[sflag:s3] =	ssyncadd.s32 $0xFFFFF980  }
0xc: {  	[tilespmem:s6], [sflag:$0x1] =	stream.indirect.gather [hbm4b:s5+s6], $0x20, s2, s6, $0xb8;
	[tilespmem:$0xD680] =	vst v63  }
0xd: {  	s8 =	smul.u32 $0xD000, s8;
	_ =	swait.ge [sflag:s7], $0xD000  }
0xe: {  	s24 =	sadd.s32 $0x9FB000, s9;
	[sflag:s7] =	ssyncset.done $0x0  }
0xf: {  	s8 =	sadd.s32 s24, s8;
	[sflag:s7] =	ssyncadd.s32 $0xFFFF3000  }
0x10: {  	[hbm4b:s8+s2] =	stream.linear.scatter [tilespmem:s6], [sflag:$0x2], $0xD000, $0x38;
	[tilespmem:$0xD680] =	vst v63  }
0x11: {  	s10 =	sadd.s32 $0x680, s23;
	_ =	swait.ge [sflag:s3], $0xD000  }
0x12: {  	s28 =	sshrl.u32 s10, $0x3;
	[sflag:s3] =	ssyncset.done $0x0  }
0x13: {  	s9 =	sadd.s32 s21, s28;
	[sflag:s3] =	ssyncadd.s32 $0xFFFF3000  }
0x14: {  	[tilespmem:s2], [sflag:$0x2] =	stream.linear.gather [hbm4b:s9+s2], $0x680, $0x38;
	[tilespmem:$0xD680] =	vst v63  }
0x15: {  	_ =	swait.ge [sflag:s3], $0x680  }
0x16: {  	[sflag:s3] =	ssyncset.done $0x0  }
0x17: {  	[sflag:s3] =	ssyncadd.s32 $0xFFFFF980  }
0x18: {  	[tilespmem:s6], [sflag:$0x1] =	stream.indirect.gather [hbm4b:s5+s6], $0x20, s2, s6, $0xb8;
	[tilespmem:$0xD680] =	vst v63  }
0x19: {  	_ =	swait.ge [sflag:s7], $0xD000  }
0x1a: {  	s10 =	sshll.u32 s10, $0x2;
	[sflag:s7] =	ssyncset.done $0x0  }
0x1b: {  	s10 =	sadd.s32 s24, s10;
	[sflag:s7] =	ssyncadd.s32 $0xFFFF3000  }
0x1c: {  	[hbm4b:s10+s2] =	stream.linear.scatter [tilespmem:s6], [sflag:$0x2], $0xD000, $0x38;
	[tilespmem:$0xD680] =	vst v63  }
0x1d: {  	s12 =	sadd.s32 $0xD00, s23;
	_ =	swait.ge [sflag:s3], $0xD000  }
0x1e: {  	s11 =	sshrl.u32 s12, $0x3;
	[sflag:s3] =	ssyncset.done $0x0  }
0x1f: {  	s11 =	sadd.s32 s21, s11;
	[sflag:s3] =	ssyncadd.s32 $0xFFFF3000  }
0x20: {  	[tilespmem:s2], [sflag:$0x2] =	stream.linear.gather [hbm4b:s11+s2], $0x680, $0x38;
	[tilespmem:$0xD680] =	vst v63  }
0x21: {  	_ =	swait.ge [sflag:s3], $0x680  }
0x22: {  	[sflag:s3] =	ssyncset.done $0x0  }
0x23: {  	[sflag:s3] =	ssyncadd.s32 $0xFFFFF980  }
0x24: {  	[tilespmem:s6], [sflag:$0x1] =	stream.indirect.gather [hbm4b:s5+s6], $0x20, s2, s6, $0xb8;
	[tilespmem:$0xD680] =	vst v63  }
0x25: {  	_ =	swait.ge [sflag:s7], $0xD000  }
0x26: {  	s12 =	sshll.u32 s12, $0x2;
	[sflag:s7] =	ssyncset.done $0x0  }
0x27: {  	s12 =	sadd.s32 s24, s12;
	[sflag:s7] =	ssyncadd.s32 $0xFFFF3000  }
0x28: {  	[hbm4b:s12+s2] =	stream.linear.scatter [tilespmem:s6], [sflag:$0x2], $0xD000, $0x38;
	[tilespmem:$0xD680] =	vst v63  }
0x29: {  	s14 =	sadd.s32 $0x1380, s23;
	_ =	swait.ge [sflag:s3], $0xD000  }
0x2a: {  	s13 =	sshrl.u32 s14, $0x3;
	[sflag:s3] =	ssyncset.done $0x0  }
0x2b: {  	s13 =	sadd.s32 s21, s13;
	[sflag:s3] =	ssyncadd.s32 $0xFFFF3000  }
0x2c: {  	[tilespmem:s2], [sflag:$0x2] =	stream.linear.gather [hbm4b:s13+s2], $0x680, $0x38;
	[tilespmem:$0xD680] =	vst v63  }
0x2d: {  	_ =	swait.ge [sflag:s3], $0x680  }
0x2e: {  	[sflag:s3] =	ssyncset.done $0x0  }
0x2f: {  	[sflag:s3] =	ssyncadd.s32 $0xFFFFF980  }
0x30: {  	[tilespmem:s6], [sflag:$0x1] =	stream.indirect.gather [hbm4b:s5+s6], $0x20, s2, s6, $0xb8;
	[tilespmem:$0xD680] =	vst v63  }
0x31: {  	_ =	swait.ge [sflag:s7], $0xD000  }
0x32: {  	s14 =	sshll.u32 s14, $0x2;
	[sflag:s7] =	ssyncset.done $0x0  }
0x33: {  	s14 =	sadd.s32 s24, s14;
	[sflag:s7] =	ssyncadd.s32 $0xFFFF3000  }
0x34: {  	[hbm4b:s14+s2] =	stream.linear.scatter [tilespmem:s6], [sflag:$0x2], $0xD000, $0x38;
	[tilespmem:$0xD680] =	vst v63  }
0x35: {  	s16 =	sadd.s32 $0x1A00, s23;
	_ =	swait.ge [sflag:s3], $0xD000  }
0x36: {  	s15 =	sshrl.u32 s16, $0x3;
	[sflag:s3] =	ssyncset.done $0x0  }
0x37: {  	s15 =	sadd.s32 s21, s15;
	[sflag:s3] =	ssyncadd.s32 $0xFFFF3000  }
0x38: {  	[tilespmem:s2], [sflag:$0x2] =	stream.linear.gather [hbm4b:s15+s2], $0x680, $0x38;
	[tilespmem:$0xD680] =	vst v63  }
0x39: {  	_ =	swait.ge [sflag:s3], $0x680  }
0x3a: {  	[sflag:s3] =	ssyncset.done $0x0  }
0x3b: {  	[sflag:s3] =	ssyncadd.s32 $0xFFFFF980  }
0x3c: {  	[tilespmem:s6], [sflag:$0x1] =	stream.indirect.gather [hbm4b:s5+s6], $0x20, s2, s6, $0xb8;
	[tilespmem:$0xD680] =	vst v63  }
0x3d: {  	_ =	swait.ge [sflag:s7], $0xD000  }
0x3e: {  	s16 =	sshll.u32 s16, $0x2;
	[sflag:s7] =	ssyncset.done $0x0  }
0x3f: {  	s16 =	sadd.s32 s24, s16;
	[sflag:s7] =	ssyncadd.s32 $0xFFFF3000  }
0x40: {  	[hbm4b:s16+s2] =	stream.linear.scatter [tilespmem:s6], [sflag:$0x2], $0xD000, $0x38;
	[tilespmem:$0xD680] =	vst v63  }
0x41: {  	s18 =	sadd.s32 $0x2080, s23;
	_ =	swait.ge [sflag:s3], $0xD000  }
0x42: {  	s17 =	sshrl.u32 s18, $0x3;
	[sflag:s3] =	ssyncset.done $0x0  }
0x43: {  	s17 =	sadd.s32 s21, s17;
	[sflag:s3] =	ssyncadd.s32 $0xFFFF3000  }
0x44: {  	[tilespmem:s2], [sflag:$0x2] =	stream.linear.gather [hbm4b:s17+s2], $0x680, $0x38;
	[tilespmem:$0xD680] =	vst v63  }
0x45: {  	_ =	swait.ge [sflag:s3], $0x680  }
0x46: {  	[sflag:s3] =	ssyncset.done $0x0  }
0x47: {  	[sflag:s3] =	ssyncadd.s32 $0xFFFFF980  }
0x48: {  	[tilespmem:s6], [sflag:$0x1] =	stream.indirect.gather [hbm4b:s5+s6], $0x20, s2, s6, $0xb8;
	[tilespmem:$0xD680] =	vst v63  }
0x49: {  	_ =	swait.ge [sflag:s7], $0xD000  }
0x4a: {  	s18 =	sshll.u32 s18, $0x2;
	[sflag:s7] =	ssyncset.done $0x0  }
0x4b: {  	s18 =	sadd.s32 s24, s18;
	[sflag:s7] =	ssyncadd.s32 $0xFFFF3000  }
0x4c: {  	[hbm4b:s18+s2] =	stream.linear.scatter [tilespmem:s6], [sflag:$0x2], $0xD000, $0x38;
	[tilespmem:$0xD680] =	vst v63  }
0x4d: {  	s20 =	sadd.s32 $0x2700, s23;
	_ =	swait.ge [sflag:s3], $0xD000  }
0x4e: {  	s19 =	sshrl.u32 s20, $0x3;
	[sflag:s3] =	ssyncset.done $0x0  }
0x4f: {  	s19 =	sadd.s32 s21, s19;
	[sflag:s3] =	ssyncadd.s32 $0xFFFF3000  }
0x50: {  	[tilespmem:s2], [sflag:$0x2] =	stream.linear.gather [hbm4b:s19+s2], $0x680, $0x38;
	[tilespmem:$0xD680] =	vst v63  }
0x51: {  	_ =	swait.ge [sflag:s3], $0x680  }
0x52: {  	[sflag:s3] =	ssyncset.done $0x0  }
0x53: {  	[sflag:s3] =	ssyncadd.s32 $0xFFFFF980  }
0x54: {  	[tilespmem:s6], [sflag:$0x1] =	stream.indirect.gather [hbm4b:s5+s6], $0x20, s2, s6, $0xb8;
	[tilespmem:$0xD680] =	vst v63  }
0x55: {  	_ =	swait.ge [sflag:s7], $0xD000  }
0x56: {  	s20 =	sshll.u32 s20, $0x2;
	[sflag:s7] =	ssyncset.done $0x0  }
0x57: {  	s20 =	sadd.s32 s24, s20;
	[sflag:s7] =	ssyncadd.s32 $0xFFFF3000  }
0x58: {  	[hbm4b:s20+s2] =	stream.linear.scatter [tilespmem:s6], [sflag:$0x2], $0xD000, $0x38;
	[tilespmem:$0xD680] =	vst v63  }
0x59: {  	s23 =	sadd.s32 $0x2D80, s23;
	_ =	swait.ge [sflag:s3], $0xD000  }
0x5a: {  	s25 =	sshrl.u32 s23, $0x3;
	[sflag:s3] =	ssyncset.done $0x0  }
0x5b: {  	s22 =	ssub.s32 $0x2, s22;
	s21 =	sadd.s32 s21, s25;
	[sflag:s3] =	ssyncadd.s32 $0xFFFF3000  }
0x5c: {  	[tilespmem:s2], [sflag:$0x2] =	stream.linear.gather [hbm4b:s21+s2], $0x680, $0x38;
	[tilespmem:$0xD680] =	vst v63  }
0x5d: {  	s29 =	sshrl.u32 s22, $0x1;
	_ =	swait.ge [sflag:s3], $0x680  }
0x5e: {  	s25 =	ssub.s32 s22, s29;
	[sflag:s3] =	ssyncset.done $0x0  }
0x5f: {  	s31 =	smax.u32 s25, $0x1;
	[sflag:s3] =	ssyncadd.s32 $0xFFFFF980  }
0x60: {  	[tilespmem:s6], [sflag:$0x1] =	stream.indirect.gather [hbm4b:s5+s6], $0x20, s2, s6, $0xb8;
	[tilespmem:$0xD680] =	vst v63  }
0x61: {  	p0 =	sne.s32 s31, $0x1;
	_ =	swait.ge [sflag:s7], $0xD000  }
.Ltmp0:
0x62: {  	s30 =	sshll.u32 s23, $0x2;
	[sflag:s7] =	ssyncset.done $0x0;
	(pc) =	sbr.rel @!p0 .LBB2_2-.Ltmp0, $4  }
0x63: {  	s22 =	sadd.s32 s24, s30;
	[sflag:s7] =	ssyncadd.s32 $0xFFFF3000  }
0x64: {  	[hbm4b:s22+s2] =	stream.linear.scatter [tilespmem:s6], [sflag:$0x2], $0xD000, $0x38;
	[tilespmem:$0xD680] =	vst v63  }
0x65: {  	_ =	swait.ge [sflag:s3], $0xD000  }
0x66: {  	s23 =	sadd.s32 $0xFFFFFFFF, s31;
	[sflag:s3] =	ssyncset.done $0x0  }
.LBB2_1:
0x67: {  	p0 =	sne.s32 s23, $0x1;
	s23 =	sadd.s32 $0xFFFFFFFF, s23;
	[sflag:s3] =	ssyncadd.s32 $0xFFFF3000  }
0x68: {  	[tilespmem:s2], [sflag:$0x2] =	stream.linear.gather [hbm4b:s4+s2], $0x680, $0x38;
	[tilespmem:$0xD680] =	vst v63  }
0x69: {  	_ =	swait.ge [sflag:s3], $0x680  }
0x6a: {  	[sflag:s3] =	ssyncset.done $0x0  }
0x6b: {  	[sflag:s3] =	ssyncadd.s32 $0xFFFFF980  }
0x6c: {  	[tilespmem:s6], [sflag:$0x1] =	stream.indirect.gather [hbm4b:s5+s6], $0x20, s2, s6, $0xb8;
	[tilespmem:$0xD680] =	vst v63  }
0x6d: {  	_ =	swait.ge [sflag:s7], $0xD000  }
0x6e: {  	[sflag:s7] =	ssyncset.done $0x0  }
0x6f: {  	[sflag:s7] =	ssyncadd.s32 $0xFFFF3000  }
0x70: {  	[hbm4b:s8+s2] =	stream.linear.scatter [tilespmem:s6], [sflag:$0x2], $0xD000, $0x38;
	[tilespmem:$0xD680] =	vst v63  }
0x71: {  	_ =	swait.ge [sflag:s3], $0xD000  }
0x72: {  	[sflag:s3] =	ssyncset.done $0x0  }
0x73: {  	[sflag:s3] =	ssyncadd.s32 $0xFFFF3000  }
0x74: {  	[tilespmem:s2], [sflag:$0x2] =	stream.linear.gather [hbm4b:s9+s2], $0x680, $0x38;
	[tilespmem:$0xD680] =	vst v63  }
0x75: {  	_ =	swait.ge [sflag:s3], $0x680  }
0x76: {  	[sflag:s3] =	ssyncset.done $0x0  }
0x77: {  	[sflag:s3] =	ssyncadd.s32 $0xFFFFF980  }
0x78: {  	[tilespmem:s6], [sflag:$0x1] =	stream.indirect.gather [hbm4b:s5+s6], $0x20, s2, s6, $0xb8;
	[tilespmem:$0xD680] =	vst v63  }
0x79: {  	_ =	swait.ge [sflag:s7], $0xD000  }
0x7a: {  	[sflag:s7] =	ssyncset.done $0x0  }
0x7b: {  	[sflag:s7] =	ssyncadd.s32 $0xFFFF3000  }
0x7c: {  	[hbm4b:s10+s2] =	stream.linear.scatter [tilespmem:s6], [sflag:$0x2], $0xD000, $0x38;
	[tilespmem:$0xD680] =	vst v63  }
0x7d: {  	_ =	swait.ge [sflag:s3], $0xD000  }
0x7e: {  	[sflag:s3] =	ssyncset.done $0x0  }
0x7f: {  	[sflag:s3] =	ssyncadd.s32 $0xFFFF3000  }
0x80: {  	[tilespmem:s2], [sflag:$0x2] =	stream.linear.gather [hbm4b:s11+s2], $0x680, $0x38;
	[tilespmem:$0xD680] =	vst v63  }
0x81: {  	_ =	swait.ge [sflag:s3], $0x680  }
0x82: {  	[sflag:s3] =	ssyncset.done $0x0  }
0x83: {  	[sflag:s3] =	ssyncadd.s32 $0xFFFFF980  }
0x84: {  	[tilespmem:s6], [sflag:$0x1] =	stream.indirect.gather [hbm4b:s5+s6], $0x20, s2, s6, $0xb8;
	[tilespmem:$0xD680] =	vst v63  }
0x85: {  	_ =	swait.ge [sflag:s7], $0xD000  }
0x86: {  	[sflag:s7] =	ssyncset.done $0x0  }
0x87: {  	[sflag:s7] =	ssyncadd.s32 $0xFFFF3000  }
0x88: {  	[hbm4b:s12+s2] =	stream.linear.scatter [tilespmem:s6], [sflag:$0x2], $0xD000, $0x38;
	[tilespmem:$0xD680] =	vst v63  }
0x89: {  	_ =	swait.ge [sflag:s3], $0xD000  }
0x8a: {  	[sflag:s3] =	ssyncset.done $0x0  }
0x8b: {  	[sflag:s3] =	ssyncadd.s32 $0xFFFF3000  }
0x8c: {  	[tilespmem:s2], [sflag:$0x2] =	stream.linear.gather [hbm4b:s13+s2], $0x680, $0x38;
	[tilespmem:$0xD680] =	vst v63  }
0x8d: {  	_ =	swait.ge [sflag:s3], $0x680  }
0x8e: {  	[sflag:s3] =	ssyncset.done $0x0  }
0x8f: {  	[sflag:s3] =	ssyncadd.s32 $0xFFFFF980  }
0x90: {  	[tilespmem:s6], [sflag:$0x1] =	stream.indirect.gather [hbm4b:s5+s6], $0x20, s2, s6, $0xb8;
	[tilespmem:$0xD680] =	vst v63  }
0x91: {  	_ =	swait.ge [sflag:s7], $0xD000  }
0x92: {  	[sflag:s7] =	ssyncset.done $0x0  }
0x93: {  	[sflag:s7] =	ssyncadd.s32 $0xFFFF3000  }
0x94: {  	[hbm4b:s14+s2] =	stream.linear.scatter [tilespmem:s6], [sflag:$0x2], $0xD000, $0x38;
	[tilespmem:$0xD680] =	vst v63  }
0x95: {  	_ =	swait.ge [sflag:s3], $0xD000  }
0x96: {  	[sflag:s3] =	ssyncset.done $0x0  }
0x97: {  	[sflag:s3] =	ssyncadd.s32 $0xFFFF3000  }
0x98: {  	[tilespmem:s2], [sflag:$0x2] =	stream.linear.gather [hbm4b:s15+s2], $0x680, $0x38;
	[tilespmem:$0xD680] =	vst v63  }
0x99: {  	_ =	swait.ge [sflag:s3], $0x680  }
0x9a: {  	[sflag:s3] =	ssyncset.done $0x0  }
0x9b: {  	[sflag:s3] =	ssyncadd.s32 $0xFFFFF980  }
0x9c: {  	[tilespmem:s6], [sflag:$0x1] =	stream.indirect.gather [hbm4b:s5+s6], $0x20, s2, s6, $0xb8;
	[tilespmem:$0xD680] =	vst v63  }
0x9d: {  	_ =	swait.ge [sflag:s7], $0xD000  }
0x9e: {  	[sflag:s7] =	ssyncset.done $0x0  }
0x9f: {  	[sflag:s7] =	ssyncadd.s32 $0xFFFF3000  }
0xa0: {  	[hbm4b:s16+s2] =	stream.linear.scatter [tilespmem:s6], [sflag:$0x2], $0xD000, $0x38;
	[tilespmem:$0xD680] =	vst v63  }
0xa1: {  	_ =	swait.ge [sflag:s3], $0xD000  }
0xa2: {  	[sflag:s3] =	ssyncset.done $0x0  }
0xa3: {  	[sflag:s3] =	ssyncadd.s32 $0xFFFF3000  }
0xa4: {  	[tilespmem:s2], [sflag:$0x2] =	stream.linear.gather [hbm4b:s17+s2], $0x680, $0x38;
	[tilespmem:$0xD680] =	vst v63  }
0xa5: {  	_ =	swait.ge [sflag:s3], $0x680  }
0xa6: {  	[sflag:s3] =	ssyncset.done $0x0  }
0xa7: {  	[sflag:s3] =	ssyncadd.s32 $0xFFFFF980  }
0xa8: {  	[tilespmem:s6], [sflag:$0x1] =	stream.indirect.gather [hbm4b:s5+s6], $0x20, s2, s6, $0xb8;
	[tilespmem:$0xD680] =	vst v63  }
0xa9: {  	_ =	swait.ge [sflag:s7], $0xD000  }
0xaa: {  	[sflag:s7] =	ssyncset.done $0x0  }
0xab: {  	[sflag:s7] =	ssyncadd.s32 $0xFFFF3000  }
0xac: {  	[hbm4b:s18+s2] =	stream.linear.scatter [tilespmem:s6], [sflag:$0x2], $0xD000, $0x38;
	[tilespmem:$0xD680] =	vst v63  }
0xad: {  	_ =	swait.ge [sflag:s3], $0xD000  }
0xae: {  	[sflag:s3] =	ssyncset.done $0x0  }
0xaf: {  	[sflag:s3] =	ssyncadd.s32 $0xFFFF3000  }
0xb0: {  	[tilespmem:s2], [sflag:$0x2] =	stream.linear.gather [hbm4b:s19+s2], $0x680, $0x38;
	[tilespmem:$0xD680] =	vst v63  }
0xb1: {  	_ =	swait.ge [sflag:s3], $0x680  }
0xb2: {  	[sflag:s3] =	ssyncset.done $0x0  }
0xb3: {  	[sflag:s3] =	ssyncadd.s32 $0xFFFFF980  }
0xb4: {  	[tilespmem:s6], [sflag:$0x1] =	stream.indirect.gather [hbm4b:s5+s6], $0x20, s2, s6, $0xb8;
	[tilespmem:$0xD680] =	vst v63  }
0xb5: {  	_ =	swait.ge [sflag:s7], $0xD000  }
0xb6: {  	[sflag:s7] =	ssyncset.done $0x0  }
0xb7: {  	[sflag:s7] =	ssyncadd.s32 $0xFFFF3000  }
0xb8: {  	[hbm4b:s20+s2] =	stream.linear.scatter [tilespmem:s6], [sflag:$0x2], $0xD000, $0x38;
	[tilespmem:$0xD680] =	vst v63  }
0xb9: {  	_ =	swait.ge [sflag:s3], $0xD000  }
0xba: {  	[sflag:s3] =	ssyncset.done $0x0  }
0xbb: {  	[sflag:s3] =	ssyncadd.s32 $0xFFFF3000  }
0xbc: {  	[tilespmem:s2], [sflag:$0x2] =	stream.linear.gather [hbm4b:s21+s2], $0x680, $0x38;
	[tilespmem:$0xD680] =	vst v63  }
0xbd: {  	_ =	swait.ge [sflag:s3], $0x680  }
0xbe: {  	[sflag:s3] =	ssyncset.done $0x0  }
0xbf: {  	[sflag:s3] =	ssyncadd.s32 $0xFFFFF980  }
0xc0: {  	[tilespmem:s6], [sflag:$0x1] =	stream.indirect.gather [hbm4b:s5+s6], $0x20, s2, s6, $0xb8;
	[tilespmem:$0xD680] =	vst v63  }
0xc1: {  	_ =	swait.ge [sflag:s7], $0xD000  }
.Ltmp1:
0xc2: {  	[sflag:s7] =	ssyncset.done $0x0;
	(pc) =	sbr.rel @p0 .LBB2_1-.Ltmp1, $4  }
0xc3: {  	[sflag:s7] =	ssyncadd.s32 $0xFFFF3000  }
0xc4: {  	[hbm4b:s22+s2] =	stream.linear.scatter [tilespmem:s6], [sflag:$0x2], $0xD000, $0x38;
	[tilespmem:$0xD680] =	vst v63  }
0xc5: {  	_ =	swait.ge [sflag:s3], $0xD000  }
0xc6: {  	[sflag:s3] =	ssyncset.done $0x0  }
.LBB2_2:
0xc7: {  	[sflag:s3] =	ssyncadd.s32 $0xFFFF3000  }
0xc8: {  	_ =	sfence.sel $0x180000  }
0xc9: {  	[bflag:$0x0] =	sbarrier.arrive $0xFFFF  }
0xca: {  	p0 =	sne.s32 s0, $0x0;
	_ =	strace $0x90000047  }
0xcb: {  	s0 =	sadd.s32 @!p0 $0x100000, s1;
	[bflag:$0x2] =	sbarrier.arrive $0xFFFF  }
0xcc: {  	[sflag:s0] =	ssyncadd.tile.s32 @!p0 $0x1;
	_ =	shalt  }
.Lfunc_end2:
_tile_overlayer_lowered:
.L_overlay_start_2:
0xcd: {  	(tag) =	ssettag $0x2  }
0xce: {  	s0 =	rddreg [dreg:$0x0];
	s2 =	stileid.u32  }
0xcf: {  	s1 =	rddreg [dreg:$0x1];
	p0 =	sne.s32 s2, $0x0  }
0xd0: {  	s3 =	rddreg [dreg:$0x2];
	[bflag:$0x3] =	sbarrier.arrive $0xFFFF;
	s2 =	simm.s32 @!p0 $0x1C02  }
0xd1: {  	[timem:s3], [sflag:s2] =	dma.local @!p0 [hbm:s0], s1  }
0xd2: {  	s0 =	simm.s32 @!p0 $0x2  }
0xd3: {  	_ =	swait.ge @!p0 [sflag:s0], s1  }
0xd4: {  	s1 =	ssub.s32 @!p0 $0x0, s1;
	[sflag:s0] =	ssyncset.done @!p0 $0x0  }
0xd5: {  	[sflag:s0] =	ssyncadd.s32 @!p0 s1  }
0xd6: {  	[bflag:$0x3] =	sbarrier.arrive $0xFFFF  }
0xd7: {  	_ =	shalt  }

</sc_bundles>
